<compile_context>
chip_gen: v7x
topology: tpu7x:2x2x1
jax: 0.10.2.dev20260603
libtpu: 0.0.44.dev20260713+nightly
codegen_flags: <defaults>
</compile_context>

<pallas_src>
import numpy as np
import jax
import jax.numpy as jnp
from jax.experimental import pallas as pl
from jax.experimental.pallas import tpu as pltpu

_B, _C, _H, _W = 4, 96, 384, 384
_PH, _PW = _H // 2, _W // 2
_PB = 48
_GROWS = _PH // _PB
_NREG = _PH * _PW
_LW = 5 * _PW

_PE_NP = np.zeros((_W, _PW), np.float32)
_PE_NP[np.arange(0, _W, 2), np.arange(_PW)] = 1.0
_PO_NP = np.zeros((_W, _PW), np.float32)
_PO_NP[np.arange(1, _W, 2), np.arange(_PW)] = 1.0


def _rotl(x, r):
    return (x << jnp.uint32(r)) | (x >> jnp.uint32(32 - r))


def _threefry_bits(k0, k1, ctr):
    ks2 = k0 ^ k1 ^ jnp.uint32(0x1BD11BDA)
    ks = (k0, k1, ks2)
    x0 = jnp.zeros(ctr.shape, jnp.uint32) + k0
    x1 = ctr + k1
    rots = ((13, 15, 26, 6), (17, 29, 16, 24))
    for i in range(5):
        for r in rots[i % 2]:
            x0 = x0 + x1
            x1 = _rotl(x1, r)
            x1 = x1 ^ x0
        x0 = x0 + ks[(i + 1) % 3]
        x1 = x1 + ks[(i + 2) % 3] + jnp.uint32(i + 1)
    return x0 ^ x1


def _uniform(bits):
    f = jax.lax.bitcast_convert_type((bits >> jnp.uint32(9)) | jnp.uint32(0x3F800000),
                                     jnp.float32)
    return jnp.maximum(jnp.float32(0.0), f - jnp.float32(1.0))


def _body(key_ref, x_ref, pe_ref, po_ref, sparse_ref, pooled_ref, winner_ref):
    k0 = key_ref[0].astype(jnp.uint32)
    k1 = key_ref[1].astype(jnp.uint32)

    b = pl.program_id(0)
    c = pl.program_id(1)
    g = pl.program_id(2)
    row = jax.lax.broadcasted_iota(jnp.int32, (_PB, _LW), 0)
    lane = jax.lax.broadcasted_iota(jnp.int32, (_PB, _LW), 1)
    pw = lane % _PW
    k_slot = lane // _PW
    ph = g * _PB + row
    ctr = (((b * _C + c) * _NREG) + ph * _PW + pw) * 5 + k_slot
    u = _uniform(_threefry_bits(k0, k1, ctr.astype(jnp.uint32)))
    eps = jnp.float32(1e-8)
    gum = -jnp.log(-jnp.log(u + eps) + eps)

    v0 = x_ref[0, 0, 0]
    v1 = x_ref[0, 0, 1]
    v2 = x_ref[0, 0, 2]
    v3 = x_ref[0, 0, 3]

    m = jnp.maximum(jnp.maximum(jnp.maximum(v0, v1), jnp.maximum(v2, v3)),
                    jnp.float32(0.0))
    e0 = jnp.exp(v0 - m)
    e1 = jnp.exp(v1 - m)
    e2 = jnp.exp(v2 - m)
    e3 = jnp.exp(v3 - m)
    e4 = jnp.exp(-m)
    inv = jnp.float32(1.0) / (e0 + e1 + e2 + e3 + e4 + eps)
    probs = (e0 * inv, e1 * inv, e2 * inv, e3 * inv, e4 * inv)

    best = None
    w = None
    for k in range(5):
        s = jnp.log(probs[k] + eps) + gum[:, k * _PW:(k + 1) * _PW]
        if k == 0:
            best = s
            w = jnp.zeros((_PB, _PW), jnp.int32)
        else:
            take = s > best
            w = jnp.where(take, jnp.int32(k), w)
            best = jnp.maximum(best, s)

    def dot_t(a, b_):
        return jax.lax.dot_general(a, b_, (((1,), (1,)), ((), ())),
                                   preferred_element_type=jnp.float32)

    sv = [jnp.where(w == k, probs[k], jnp.float32(0.0)) for k in range(4)]
    sparse_ref[0, 0, :, :_W] = dot_t(sv[0], pe_ref[...]) + dot_t(sv[1], po_ref[...])
    sparse_ref[0, 0, :, _W:] = dot_t(sv[2], pe_ref[...]) + dot_t(sv[3], po_ref[...])
    pooled_ref[0, 0] = (e0 + e1 + e2 + e3) * inv
    winner_ref[0, 0] = w


@jax.jit
def kernel(hidden_activations):
    x = hidden_activations
    xd = x.reshape(_B, _C, _PH, 2, _PW, 2).transpose(0, 1, 3, 5, 2, 4)
    xd = xd.reshape(_B, _C, 4, _PH, _PW)
    key_data = jax.random.key_data(
        jax.random.fold_in(jax.random.key(0), 7)).astype(jnp.int32)

    grid_spec = pltpu.PrefetchScalarGridSpec(
        num_scalar_prefetch=1,
        grid=(_B, _C, _GROWS),
        in_specs=[
            pl.BlockSpec((1, 1, 4, _PB, _PW), lambda b, c, g, k: (b, c, 0, g, 0)),
            pl.BlockSpec((_W, _PW), lambda b, c, g, k: (0, 0)),
            pl.BlockSpec((_W, _PW), lambda b, c, g, k: (0, 0)),
        ],
        out_specs=[
            pl.BlockSpec((1, 1, _PB, 2 * _W), lambda b, c, g, k: (b, c, g, 0)),
            pl.BlockSpec((1, 1, _PB, _PW), lambda b, c, g, k: (b, c, g, 0)),
            pl.BlockSpec((1, 1, _PB, _PW), lambda b, c, g, k: (b, c, g, 0)),
        ],
    )
    sparse768, pooled, winner = pl.pallas_call(
        _body,
        grid_spec=grid_spec,
        out_shape=[
            jax.ShapeDtypeStruct((_B, _C, _PH, 2 * _W), jnp.float32),
            jax.ShapeDtypeStruct((_B, _C, _PH, _PW), jnp.float32),
            jax.ShapeDtypeStruct((_B, _C, _PH, _PW), jnp.int32),
        ],
    )(key_data, xd, jnp.asarray(_PE_NP), jnp.asarray(_PO_NP))

    sparse = sparse768.reshape(_B, _C, _H, _W)
    return (sparse, pooled, winner)

# --- scband reference (transcript-rebuilt; emitter-appended) ---
"""Pipeline reference for scband-multinomial-max-pool2d-67783173865517 (READ-ONLY COPY).

The authoritative reference and input builder live on the scoring server;
editing this copy changes nothing except your own understanding.
"""

import jax, jax.numpy as jnp
import numpy as np

SPACING = 2

def setup_inputs(seed: int = 0):
    key = jax.random.key(seed)
    x = jax.random.normal(key, (4, 96, 384, 384), dtype=jnp.float32)
    return {"hidden_activations": x}

def _forward(x, spacing):
    B, C, H, W = x.shape
    Ph, Pw = H // spacing, W // spacing
    # F.unfold(kernel=spacing, stride=spacing) + view + permute is equivalent to this
    # non-overlapping block extraction with (kh, kw) row-major ordering per region.
    regions = x.reshape(B, C, Ph, spacing, Pw, spacing)
    regions = regions.transpose(0, 1, 2, 4, 3, 5).reshape(B, C, Ph * Pw, spacing * spacing)
    null = jnp.zeros((B, C, Ph * Pw, 1), dtype=regions.dtype)
    rwn = jnp.concatenate([regions, null], axis=-1)
    mx = jnp.max(rwn, axis=-1, keepdims=True)
    ex = jnp.exp(rwn - mx)
    probs = ex / (jnp.sum(ex, axis=-1, keepdims=True) + 1e-08)
    gkey = jax.random.fold_in(jax.random.key(0), 7)
    u = jax.random.uniform(gkey, probs.shape, dtype=probs.dtype)
    gumbel = -jnp.log(-jnp.log(u + 1e-08) + 1e-08)
    winner = jnp.argmax(jnp.log(probs + 1e-08) + gumbel, axis=-1)
    # sparse probability map: probability value at the winner location, zero elsewhere;
    # winner == spacing*spacing means 'no winner' -> one_hot gives an all-zero row.
    winner_prob = jnp.take_along_axis(probs, winner[..., None], axis=-1)[..., 0]
    onehot = jax.nn.one_hot(winner, spacing * spacing, dtype=probs.dtype)
    sparse_vals = onehot * winner_prob[..., None]
    sparse = sparse_vals.reshape(B, C, Ph, Pw, spacing, spacing)
    sparse = sparse.transpose(0, 1, 2, 4, 3, 5).reshape(B, C, H, W)
    pooled = jnp.sum(probs[..., :-1], axis=-1).reshape(B, C, Ph, Pw)
    winner_indices = winner.reshape(B, C, Ph, Pw)
    return sparse, pooled, winner_indices

def reference(hidden_activations):
    sparse, pooled, winner_indices = _forward(hidden_activations, SPACING)
    return (sparse, pooled, winner_indices)

if __name__ == "__main__":
    import jax
    _d = setup_inputs()
    print(jax.jit(kernel)(*tuple(_d.values())))

</pallas_src>

<mosaic_0001>
module attributes {stable_mosaic.version = 14 : i64} {
  func.func @_body(%arg0: i32, %arg1: i32, %arg2: i32, %arg3: memref<2xi32, #tpu.memory_space<smem>>, %arg4: memref<1x1x4x48x192xf32, #tpu.memory_space<vmem>>, %arg5: memref<384x192xf32, #tpu.memory_space<vmem>>, %arg6: memref<384x192xf32, #tpu.memory_space<vmem>>, %arg7: memref<1x1x48x768xf32, #tpu.memory_space<vmem>>, %arg8: memref<1x1x48x192xf32, #tpu.memory_space<vmem>>, %arg9: memref<1x1x48x192xi32, #tpu.memory_space<vmem>>) attributes {dimension_semantics = [#tpu.dimension_semantics<arbitrary>, #tpu.dimension_semantics<arbitrary>, #tpu.dimension_semantics<arbitrary>], iteration_bounds = array<i64: 4, 96, 4>, scalar_prefetch = 1 : i64, scratch_operands = 0 : i64, tpu.core_type = #tpu.core_type<tc>, window_params = [{transform_indices = @transform_0, window_bounds = array<i64: 1, 1, 4, 48, 192>}, {pipeline_mode = #tpu.pipeline_mode<synchronous>, transform_indices = @transform_1, window_bounds = array<i64: 384, 192>}, {pipeline_mode = #tpu.pipeline_mode<synchronous>, transform_indices = @transform_2, window_bounds = array<i64: 384, 192>}, {transform_indices = @transform_3, window_bounds = array<i64: 1, 1, 48, 768>}, {transform_indices = @transform_4, window_bounds = array<i64: 1, 1, 48, 192>}, {transform_indices = @transform_5, window_bounds = array<i64: 1, 1, 48, 192>}]} {
    %get3A = arith.constant 0 : index
    %get3A_0 = memref.load %arg3[%get3A] : memref<2xi32, #tpu.memory_space<smem>>
    %get3A_1 = arith.constant 1 : index
    %get3A_2 = memref.load %arg3[%get3A_1] : memref<2xi32, #tpu.memory_space<smem>>
    %iota3A = tpu.iota {dimensions = array<i32: 0>} : vector<48x960xi32>
    %iota3A_3 = tpu.iota {dimensions = array<i32: 1>} : vector<48x960xi32>
    %jit3A = arith.constant 192 : i32
    %eq3A = arith.constant 0 : i32
    %eq3A_4 = arith.cmpi eq, %jit3A, %eq3A : i32
    %jit3A_5 = arith.constant 1 : i32
    %select_n3A = arith.select %eq3A_4, %jit3A_5, %jit3A : i32
    %rem3A = vector.broadcast %select_n3A : i32 to vector<48x960xi32>
    %rem3A_6 = arith.remsi %iota3A_3, %rem3A : vector<48x960xi32>
    %ne3A = arith.constant 0 : i32
    %ne3A_7 = vector.broadcast %ne3A : i32 to vector<48x960xi32>
    %ne3A_8 = arith.cmpi ne, %rem3A_6, %ne3A_7 : vector<48x960xi32>
    %lt3A = arith.constant 0 : i32
    %lt3A_9 = vector.broadcast %lt3A : i32 to vector<48x960xi32>
    %lt3A_10 = arith.cmpi slt, %rem3A_6, %lt3A_9 : vector<48x960xi32>
    %lt3A_11 = arith.constant 0 : i32
    %lt3A_12 = arith.cmpi slt, %select_n3A, %lt3A_11 : i32
    %ne3A_13 = vector.broadcast %lt3A_12 : i1 to vector<48x960xi1>
    %ne3A_14 = vector.broadcast %ne3A_13 : vector<48x960xi1> to vector<48x960xi1>
    %ne3A_15 = arith.xori %lt3A_10, %ne3A_14 : vector<48x960xi1>
    %and3A = arith.andi %ne3A_15, %ne3A_8 : vector<48x960xi1>
    %add3A = vector.broadcast %select_n3A : i32 to vector<48x960xi32>
    %add3A_16 = arith.addi %rem3A_6, %add3A : vector<48x960xi32>
    %select_n3A_17 = arith.select %and3A, %add3A_16, %rem3A_6 : vector<48x960xi1>, vector<48x960xi32>
    %jit3A_18 = arith.constant 192 : i32
    %div3A = vector.broadcast %jit3A_18 : i32 to vector<48x960xi32>
    %div3A_19 = arith.divsi %iota3A_3, %div3A : vector<48x960xi32>
    %sign3A = arith.constant 0 : i32
    %sign3A_20 = vector.broadcast %sign3A : i32 to vector<48x960xi32>
    %sign3A_21 = arith.cmpi sgt, %iota3A_3, %sign3A_20 : vector<48x960xi32>
    %sign3A_22 = arith.extui %sign3A_21 : vector<48x960xi1> to vector<48x960xi32>
    %sign3A_23 = arith.constant 0 : i32
    %sign3A_24 = vector.broadcast %sign3A_23 : i32 to vector<48x960xi32>
    %sign3A_25 = arith.cmpi slt, %iota3A_3, %sign3A_24 : vector<48x960xi32>
    %sign3A_26 = arith.extui %sign3A_25 : vector<48x960xi1> to vector<48x960xi32>
    %sign3A_27 = arith.subi %sign3A_22, %sign3A_26 : vector<48x960xi32>
    %sign3A_28 = arith.constant 0 : i32
    %sign3A_29 = arith.cmpi sgt, %jit3A_18, %sign3A_28 : i32
    %sign3A_30 = arith.extui %sign3A_29 : i1 to i32
    %sign3A_31 = arith.constant 0 : i32
    %sign3A_32 = arith.cmpi slt, %jit3A_18, %sign3A_31 : i32
    %sign3A_33 = arith.extui %sign3A_32 : i1 to i32
    %sign3A_34 = arith.subi %sign3A_30, %sign3A_33 : i32
    %ne3A_35 = vector.broadcast %sign3A_34 : i32 to vector<48x960xi32>
    %ne3A_36 = arith.cmpi ne, %sign3A_27, %ne3A_35 : vector<48x960xi32>
    %rem3A_37 = vector.broadcast %jit3A_18 : i32 to vector<48x960xi32>
    %rem3A_38 = arith.remsi %iota3A_3, %rem3A_37 : vector<48x960xi32>
    %ne3A_39 = arith.constant 0 : i32
    %ne3A_40 = vector.broadcast %ne3A_39 : i32 to vector<48x960xi32>
    %ne3A_41 = arith.cmpi ne, %rem3A_38, %ne3A_40 : vector<48x960xi32>
    %and3A_42 = arith.andi %ne3A_36, %ne3A_41 : vector<48x960xi1>
    %sub3A = arith.constant 1 : i32
    %sub3A_43 = vector.broadcast %sub3A : i32 to vector<48x960xi32>
    %sub3A_44 = arith.subi %div3A_19, %sub3A_43 : vector<48x960xi32>
    %select_n3A_45 = arith.select %and3A_42, %sub3A_44, %div3A_19 : vector<48x960xi1>, vector<48x960xi32>
    %mul3A = arith.constant 48 : i32
    %mul3A_46 = arith.muli %arg2, %mul3A : i32
    %add3A_47 = vector.broadcast %mul3A_46 : i32 to vector<48x960xi32>
    %add3A_48 = arith.addi %add3A_47, %iota3A : vector<48x960xi32>
    %mul3A_49 = arith.constant 96 : i32
    %mul3A_50 = arith.muli %arg0, %mul3A_49 : i32
    %add3A_51 = arith.addi %mul3A_50, %arg1 : i32
    %mul3A_52 = arith.constant 36864 : i32
    %mul3A_53 = arith.muli %add3A_51, %mul3A_52 : i32
    %mul3A_54 = arith.constant 192 : i32
    %mul3A_55 = vector.broadcast %mul3A_54 : i32 to vector<48x960xi32>
    %mul3A_56 = arith.muli %add3A_48, %mul3A_55 : vector<48x960xi32>
    %add3A_57 = vector.broadcast %mul3A_53 : i32 to vector<48x960xi32>
    %add3A_58 = arith.addi %add3A_57, %mul3A_56 : vector<48x960xi32>
    %add3A_59 = arith.addi %add3A_58, %select_n3A_17 : vector<48x960xi32>
    %mul3A_60 = arith.constant 5 : i32
    %mul3A_61 = vector.broadcast %mul3A_60 : i32 to vector<48x960xi32>
    %mul3A_62 = arith.muli %add3A_59, %mul3A_61 : vector<48x960xi32>
    %add3A_63 = arith.addi %mul3A_62, %select_n3A_45 : vector<48x960xi32>
    %xor3A = arith.xori %get3A_0, %get3A_2 : i32
    %xor3A_64 = arith.constant 466688986 : i32
    %xor3A_65 = arith.xori %xor3A, %xor3A_64 : i32
    %broadcast_in_dim3A = arith.constant 0 : i32
    %broadcast_in_dim3A_66 = vector.broadcast %broadcast_in_dim3A : i32 to vector<48x960xi32>
    %add3A_67 = vector.broadcast %get3A_0 : i32 to vector<48x960xi32>
    %add3A_68 = arith.addi %broadcast_in_dim3A_66, %add3A_67 : vector<48x960xi32>
    %add3A_69 = vector.broadcast %get3A_2 : i32 to vector<48x960xi32>
    %add3A_70 = arith.addi %add3A_63, %add3A_69 : vector<48x960xi32>
    %add3A_71 = arith.addi %add3A_68, %add3A_70 : vector<48x960xi32>
    %shift_left3A = arith.constant 13 : i32
    %shift_left3A_72 = vector.broadcast %shift_left3A : i32 to vector<48x960xi32>
    %shift_left3A_73 = arith.shli %add3A_70, %shift_left3A_72 : vector<48x960xi32>
    %shift_right_logical3A = arith.constant 19 : i32
    %shift_right_logical3A_74 = vector.broadcast %shift_right_logical3A : i32 to vector<48x960xi32>
    %shift_right_logical3A_75 = arith.shrui %add3A_70, %shift_right_logical3A_74 : vector<48x960xi32>
    %or3A = arith.ori %shift_left3A_73, %shift_right_logical3A_75 : vector<48x960xi32>
    %xor3A_76 = arith.xori %or3A, %add3A_71 : vector<48x960xi32>
    %add3A_77 = arith.addi %add3A_71, %xor3A_76 : vector<48x960xi32>
    %shift_left3A_78 = arith.constant 15 : i32
    %shift_left3A_79 = vector.broadcast %shift_left3A_78 : i32 to vector<48x960xi32>
    %shift_left3A_80 = arith.shli %xor3A_76, %shift_left3A_79 : vector<48x960xi32>
    %shift_right_logical3A_81 = arith.constant 17 : i32
    %shift_right_logical3A_82 = vector.broadcast %shift_right_logical3A_81 : i32 to vector<48x960xi32>
    %shift_right_logical3A_83 = arith.shrui %xor3A_76, %shift_right_logical3A_82 : vector<48x960xi32>
    %or3A_84 = arith.ori %shift_left3A_80, %shift_right_logical3A_83 : vector<48x960xi32>
    %xor3A_85 = arith.xori %or3A_84, %add3A_77 : vector<48x960xi32>
    %add3A_86 = arith.addi %add3A_77, %xor3A_85 : vector<48x960xi32>
    %shift_left3A_87 = arith.constant 26 : i32
    %shift_left3A_88 = vector.broadcast %shift_left3A_87 : i32 to vector<48x960xi32>
    %shift_left3A_89 = arith.shli %xor3A_85, %shift_left3A_88 : vector<48x960xi32>
    %shift_right_logical3A_90 = arith.constant 6 : i32
    %shift_right_logical3A_91 = vector.broadcast %shift_right_logical3A_90 : i32 to vector<48x960xi32>
    %shift_right_logical3A_92 = arith.shrui %xor3A_85, %shift_right_logical3A_91 : vector<48x960xi32>
    %or3A_93 = arith.ori %shift_left3A_89, %shift_right_logical3A_92 : vector<48x960xi32>
    %xor3A_94 = arith.xori %or3A_93, %add3A_86 : vector<48x960xi32>
    %add3A_95 = arith.addi %add3A_86, %xor3A_94 : vector<48x960xi32>
    %shift_left3A_96 = arith.constant 6 : i32
    %shift_left3A_97 = vector.broadcast %shift_left3A_96 : i32 to vector<48x960xi32>
    %shift_left3A_98 = arith.shli %xor3A_94, %shift_left3A_97 : vector<48x960xi32>
    %shift_right_logical3A_99 = arith.constant 26 : i32
    %shift_right_logical3A_100 = vector.broadcast %shift_right_logical3A_99 : i32 to vector<48x960xi32>
    %shift_right_logical3A_101 = arith.shrui %xor3A_94, %shift_right_logical3A_100 : vector<48x960xi32>
    %or3A_102 = arith.ori %shift_left3A_98, %shift_right_logical3A_101 : vector<48x960xi32>
    %xor3A_103 = arith.xori %or3A_102, %add3A_95 : vector<48x960xi32>
    %add3A_104 = vector.broadcast %get3A_2 : i32 to vector<48x960xi32>
    %add3A_105 = arith.addi %add3A_95, %add3A_104 : vector<48x960xi32>
    %add3A_106 = vector.broadcast %xor3A_65 : i32 to vector<48x960xi32>
    %add3A_107 = arith.addi %xor3A_103, %add3A_106 : vector<48x960xi32>
    %add3A_108 = arith.constant 1 : i32
    %add3A_109 = vector.broadcast %add3A_108 : i32 to vector<48x960xi32>
    %add3A_110 = arith.addi %add3A_107, %add3A_109 : vector<48x960xi32>
    %add3A_111 = arith.addi %add3A_105, %add3A_110 : vector<48x960xi32>
    %shift_left3A_112 = arith.constant 17 : i32
    %shift_left3A_113 = vector.broadcast %shift_left3A_112 : i32 to vector<48x960xi32>
    %shift_left3A_114 = arith.shli %add3A_110, %shift_left3A_113 : vector<48x960xi32>
    %shift_right_logical3A_115 = arith.constant 15 : i32
    %shift_right_logical3A_116 = vector.broadcast %shift_right_logical3A_115 : i32 to vector<48x960xi32>
    %shift_right_logical3A_117 = arith.shrui %add3A_110, %shift_right_logical3A_116 : vector<48x960xi32>
    %or3A_118 = arith.ori %shift_left3A_114, %shift_right_logical3A_117 : vector<48x960xi32>
    %xor3A_119 = arith.xori %or3A_118, %add3A_111 : vector<48x960xi32>
    %add3A_120 = arith.addi %add3A_111, %xor3A_119 : vector<48x960xi32>
    %shift_left3A_121 = arith.constant 29 : i32
    %shift_left3A_122 = vector.broadcast %shift_left3A_121 : i32 to vector<48x960xi32>
    %shift_left3A_123 = arith.shli %xor3A_119, %shift_left3A_122 : vector<48x960xi32>
    %shift_right_logical3A_124 = arith.constant 3 : i32
    %shift_right_logical3A_125 = vector.broadcast %shift_right_logical3A_124 : i32 to vector<48x960xi32>
    %shift_right_logical3A_126 = arith.shrui %xor3A_119, %shift_right_logical3A_125 : vector<48x960xi32>
    %or3A_127 = arith.ori %shift_left3A_123, %shift_right_logical3A_126 : vector<48x960xi32>
    %xor3A_128 = arith.xori %or3A_127, %add3A_120 : vector<48x960xi32>
    %add3A_129 = arith.addi %add3A_120, %xor3A_128 : vector<48x960xi32>
    %shift_left3A_130 = arith.constant 16 : i32
    %shift_left3A_131 = vector.broadcast %shift_left3A_130 : i32 to vector<48x960xi32>
    %shift_left3A_132 = arith.shli %xor3A_128, %shift_left3A_131 : vector<48x960xi32>
    %shift_right_logical3A_133 = arith.constant 16 : i32
    %shift_right_logical3A_134 = vector.broadcast %shift_right_logical3A_133 : i32 to vector<48x960xi32>
    %shift_right_logical3A_135 = arith.shrui %xor3A_128, %shift_right_logical3A_134 : vector<48x960xi32>
    %or3A_136 = arith.ori %shift_left3A_132, %shift_right_logical3A_135 : vector<48x960xi32>
    %xor3A_137 = arith.xori %or3A_136, %add3A_129 : vector<48x960xi32>
    %add3A_138 = arith.addi %add3A_129, %xor3A_137 : vector<48x960xi32>
    %shift_left3A_139 = arith.constant 24 : i32
    %shift_left3A_140 = vector.broadcast %shift_left3A_139 : i32 to vector<48x960xi32>
    %shift_left3A_141 = arith.shli %xor3A_137, %shift_left3A_140 : vector<48x960xi32>
    %shift_right_logical3A_142 = arith.constant 8 : i32
    %shift_right_logical3A_143 = vector.broadcast %shift_right_logical3A_142 : i32 to vector<48x960xi32>
    %shift_right_logical3A_144 = arith.shrui %xor3A_137, %shift_right_logical3A_143 : vector<48x960xi32>
    %or3A_145 = arith.ori %shift_left3A_141, %shift_right_logical3A_144 : vector<48x960xi32>
    %xor3A_146 = arith.xori %or3A_145, %add3A_138 : vector<48x960xi32>
    %add3A_147 = vector.broadcast %xor3A_65 : i32 to vector<48x960xi32>
    %add3A_148 = arith.addi %add3A_138, %add3A_147 : vector<48x960xi32>
    %add3A_149 = vector.broadcast %get3A_0 : i32 to vector<48x960xi32>
    %add3A_150 = arith.addi %xor3A_146, %add3A_149 : vector<48x960xi32>
    %add3A_151 = arith.constant 2 : i32
    %add3A_152 = vector.broadcast %add3A_151 : i32 to vector<48x960xi32>
    %add3A_153 = arith.addi %add3A_150, %add3A_152 : vector<48x960xi32>
    %add3A_154 = arith.addi %add3A_148, %add3A_153 : vector<48x960xi32>
    %shift_left3A_155 = arith.constant 13 : i32
    %shift_left3A_156 = vector.broadcast %shift_left3A_155 : i32 to vector<48x960xi32>
    %shift_left3A_157 = arith.shli %add3A_153, %shift_left3A_156 : vector<48x960xi32>
    %shift_right_logical3A_158 = arith.constant 19 : i32
    %shift_right_logical3A_159 = vector.broadcast %shift_right_logical3A_158 : i32 to vector<48x960xi32>
    %shift_right_logical3A_160 = arith.shrui %add3A_153, %shift_right_logical3A_159 : vector<48x960xi32>
    %or3A_161 = arith.ori %shift_left3A_157, %shift_right_logical3A_160 : vector<48x960xi32>
    %xor3A_162 = arith.xori %or3A_161, %add3A_154 : vector<48x960xi32>
    %add3A_163 = arith.addi %add3A_154, %xor3A_162 : vector<48x960xi32>
    %shift_left3A_164 = arith.constant 15 : i32
    %shift_left3A_165 = vector.broadcast %shift_left3A_164 : i32 to vector<48x960xi32>
    %shift_left3A_166 = arith.shli %xor3A_162, %shift_left3A_165 : vector<48x960xi32>
    %shift_right_logical3A_167 = arith.constant 17 : i32
    %shift_right_logical3A_168 = vector.broadcast %shift_right_logical3A_167 : i32 to vector<48x960xi32>
    %shift_right_logical3A_169 = arith.shrui %xor3A_162, %shift_right_logical3A_168 : vector<48x960xi32>
    %or3A_170 = arith.ori %shift_left3A_166, %shift_right_logical3A_169 : vector<48x960xi32>
    %xor3A_171 = arith.xori %or3A_170, %add3A_163 : vector<48x960xi32>
    %add3A_172 = arith.addi %add3A_163, %xor3A_171 : vector<48x960xi32>
    %shift_left3A_173 = arith.constant 26 : i32
    %shift_left3A_174 = vector.broadcast %shift_left3A_173 : i32 to vector<48x960xi32>
    %shift_left3A_175 = arith.shli %xor3A_171, %shift_left3A_174 : vector<48x960xi32>
    %shift_right_logical3A_176 = arith.constant 6 : i32
    %shift_right_logical3A_177 = vector.broadcast %shift_right_logical3A_176 : i32 to vector<48x960xi32>
    %shift_right_logical3A_178 = arith.shrui %xor3A_171, %shift_right_logical3A_177 : vector<48x960xi32>
    %or3A_179 = arith.ori %shift_left3A_175, %shift_right_logical3A_178 : vector<48x960xi32>
    %xor3A_180 = arith.xori %or3A_179, %add3A_172 : vector<48x960xi32>
    %add3A_181 = arith.addi %add3A_172, %xor3A_180 : vector<48x960xi32>
    %shift_left3A_182 = arith.constant 6 : i32
    %shift_left3A_183 = vector.broadcast %shift_left3A_182 : i32 to vector<48x960xi32>
    %shift_left3A_184 = arith.shli %xor3A_180, %shift_left3A_183 : vector<48x960xi32>
    %shift_right_logical3A_185 = arith.constant 26 : i32
    %shift_right_logical3A_186 = vector.broadcast %shift_right_logical3A_185 : i32 to vector<48x960xi32>
    %shift_right_logical3A_187 = arith.shrui %xor3A_180, %shift_right_logical3A_186 : vector<48x960xi32>
    %or3A_188 = arith.ori %shift_left3A_184, %shift_right_logical3A_187 : vector<48x960xi32>
    %xor3A_189 = arith.xori %or3A_188, %add3A_181 : vector<48x960xi32>
    %add3A_190 = vector.broadcast %get3A_0 : i32 to vector<48x960xi32>
    %add3A_191 = arith.addi %add3A_181, %add3A_190 : vector<48x960xi32>
    %add3A_192 = vector.broadcast %get3A_2 : i32 to vector<48x960xi32>
    %add3A_193 = arith.addi %xor3A_189, %add3A_192 : vector<48x960xi32>
    %add3A_194 = arith.constant 3 : i32
    %add3A_195 = vector.broadcast %add3A_194 : i32 to vector<48x960xi32>
    %add3A_196 = arith.addi %add3A_193, %add3A_195 : vector<48x960xi32>
    %add3A_197 = arith.addi %add3A_191, %add3A_196 : vector<48x960xi32>
    %shift_left3A_198 = arith.constant 17 : i32
    %shift_left3A_199 = vector.broadcast %shift_left3A_198 : i32 to vector<48x960xi32>
    %shift_left3A_200 = arith.shli %add3A_196, %shift_left3A_199 : vector<48x960xi32>
    %shift_right_logical3A_201 = arith.constant 15 : i32
    %shift_right_logical3A_202 = vector.broadcast %shift_right_logical3A_201 : i32 to vector<48x960xi32>
    %shift_right_logical3A_203 = arith.shrui %add3A_196, %shift_right_logical3A_202 : vector<48x960xi32>
    %or3A_204 = arith.ori %shift_left3A_200, %shift_right_logical3A_203 : vector<48x960xi32>
    %xor3A_205 = arith.xori %or3A_204, %add3A_197 : vector<48x960xi32>
    %add3A_206 = arith.addi %add3A_197, %xor3A_205 : vector<48x960xi32>
    %shift_left3A_207 = arith.constant 29 : i32
    %shift_left3A_208 = vector.broadcast %shift_left3A_207 : i32 to vector<48x960xi32>
    %shift_left3A_209 = arith.shli %xor3A_205, %shift_left3A_208 : vector<48x960xi32>
    %shift_right_logical3A_210 = arith.constant 3 : i32
    %shift_right_logical3A_211 = vector.broadcast %shift_right_logical3A_210 : i32 to vector<48x960xi32>
    %shift_right_logical3A_212 = arith.shrui %xor3A_205, %shift_right_logical3A_211 : vector<48x960xi32>
    %or3A_213 = arith.ori %shift_left3A_209, %shift_right_logical3A_212 : vector<48x960xi32>
    %xor3A_214 = arith.xori %or3A_213, %add3A_206 : vector<48x960xi32>
    %add3A_215 = arith.addi %add3A_206, %xor3A_214 : vector<48x960xi32>
    %shift_left3A_216 = arith.constant 16 : i32
    %shift_left3A_217 = vector.broadcast %shift_left3A_216 : i32 to vector<48x960xi32>
    %shift_left3A_218 = arith.shli %xor3A_214, %shift_left3A_217 : vector<48x960xi32>
    %shift_right_logical3A_219 = arith.constant 16 : i32
    %shift_right_logical3A_220 = vector.broadcast %shift_right_logical3A_219 : i32 to vector<48x960xi32>
    %shift_right_logical3A_221 = arith.shrui %xor3A_214, %shift_right_logical3A_220 : vector<48x960xi32>
    %or3A_222 = arith.ori %shift_left3A_218, %shift_right_logical3A_221 : vector<48x960xi32>
    %xor3A_223 = arith.xori %or3A_222, %add3A_215 : vector<48x960xi32>
    %add3A_224 = arith.addi %add3A_215, %xor3A_223 : vector<48x960xi32>
    %shift_left3A_225 = arith.constant 24 : i32
    %shift_left3A_226 = vector.broadcast %shift_left3A_225 : i32 to vector<48x960xi32>
    %shift_left3A_227 = arith.shli %xor3A_223, %shift_left3A_226 : vector<48x960xi32>
    %shift_right_logical3A_228 = arith.constant 8 : i32
    %shift_right_logical3A_229 = vector.broadcast %shift_right_logical3A_228 : i32 to vector<48x960xi32>
    %shift_right_logical3A_230 = arith.shrui %xor3A_223, %shift_right_logical3A_229 : vector<48x960xi32>
    %or3A_231 = arith.ori %shift_left3A_227, %shift_right_logical3A_230 : vector<48x960xi32>
    %xor3A_232 = arith.xori %or3A_231, %add3A_224 : vector<48x960xi32>
    %add3A_233 = vector.broadcast %get3A_2 : i32 to vector<48x960xi32>
    %add3A_234 = arith.addi %add3A_224, %add3A_233 : vector<48x960xi32>
    %add3A_235 = vector.broadcast %xor3A_65 : i32 to vector<48x960xi32>
    %add3A_236 = arith.addi %xor3A_232, %add3A_235 : vector<48x960xi32>
    %add3A_237 = arith.constant 4 : i32
    %add3A_238 = vector.broadcast %add3A_237 : i32 to vector<48x960xi32>
    %add3A_239 = arith.addi %add3A_236, %add3A_238 : vector<48x960xi32>
    %add3A_240 = arith.addi %add3A_234, %add3A_239 : vector<48x960xi32>
    %shift_left3A_241 = arith.constant 13 : i32
    %shift_left3A_242 = vector.broadcast %shift_left3A_241 : i32 to vector<48x960xi32>
    %shift_left3A_243 = arith.shli %add3A_239, %shift_left3A_242 : vector<48x960xi32>
    %shift_right_logical3A_244 = arith.constant 19 : i32
    %shift_right_logical3A_245 = vector.broadcast %shift_right_logical3A_244 : i32 to vector<48x960xi32>
    %shift_right_logical3A_246 = arith.shrui %add3A_239, %shift_right_logical3A_245 : vector<48x960xi32>
    %or3A_247 = arith.ori %shift_left3A_243, %shift_right_logical3A_246 : vector<48x960xi32>
    %xor3A_248 = arith.xori %or3A_247, %add3A_240 : vector<48x960xi32>
    %add3A_249 = arith.addi %add3A_240, %xor3A_248 : vector<48x960xi32>
    %shift_left3A_250 = arith.constant 15 : i32
    %shift_left3A_251 = vector.broadcast %shift_left3A_250 : i32 to vector<48x960xi32>
    %shift_left3A_252 = arith.shli %xor3A_248, %shift_left3A_251 : vector<48x960xi32>
    %shift_right_logical3A_253 = arith.constant 17 : i32
    %shift_right_logical3A_254 = vector.broadcast %shift_right_logical3A_253 : i32 to vector<48x960xi32>
    %shift_right_logical3A_255 = arith.shrui %xor3A_248, %shift_right_logical3A_254 : vector<48x960xi32>
    %or3A_256 = arith.ori %shift_left3A_252, %shift_right_logical3A_255 : vector<48x960xi32>
    %xor3A_257 = arith.xori %or3A_256, %add3A_249 : vector<48x960xi32>
    %add3A_258 = arith.addi %add3A_249, %xor3A_257 : vector<48x960xi32>
    %shift_left3A_259 = arith.constant 26 : i32
    %shift_left3A_260 = vector.broadcast %shift_left3A_259 : i32 to vector<48x960xi32>
    %shift_left3A_261 = arith.shli %xor3A_257, %shift_left3A_260 : vector<48x960xi32>
    %shift_right_logical3A_262 = arith.constant 6 : i32
    %shift_right_logical3A_263 = vector.broadcast %shift_right_logical3A_262 : i32 to vector<48x960xi32>
    %shift_right_logical3A_264 = arith.shrui %xor3A_257, %shift_right_logical3A_263 : vector<48x960xi32>
    %or3A_265 = arith.ori %shift_left3A_261, %shift_right_logical3A_264 : vector<48x960xi32>
    %xor3A_266 = arith.xori %or3A_265, %add3A_258 : vector<48x960xi32>
    %add3A_267 = arith.addi %add3A_258, %xor3A_266 : vector<48x960xi32>
    %shift_left3A_268 = arith.constant 6 : i32
    %shift_left3A_269 = vector.broadcast %shift_left3A_268 : i32 to vector<48x960xi32>
    %shift_left3A_270 = arith.shli %xor3A_266, %shift_left3A_269 : vector<48x960xi32>
    %shift_right_logical3A_271 = arith.constant 26 : i32
    %shift_right_logical3A_272 = vector.broadcast %shift_right_logical3A_271 : i32 to vector<48x960xi32>
    %shift_right_logical3A_273 = arith.shrui %xor3A_266, %shift_right_logical3A_272 : vector<48x960xi32>
    %or3A_274 = arith.ori %shift_left3A_270, %shift_right_logical3A_273 : vector<48x960xi32>
    %xor3A_275 = arith.xori %or3A_274, %add3A_267 : vector<48x960xi32>
    %add3A_276 = vector.broadcast %xor3A_65 : i32 to vector<48x960xi32>
    %add3A_277 = arith.addi %add3A_267, %add3A_276 : vector<48x960xi32>
    %add3A_278 = vector.broadcast %get3A_0 : i32 to vector<48x960xi32>
    %add3A_279 = arith.addi %xor3A_275, %add3A_278 : vector<48x960xi32>
    %add3A_280 = arith.constant 5 : i32
    %add3A_281 = vector.broadcast %add3A_280 : i32 to vector<48x960xi32>
    %add3A_282 = arith.addi %add3A_279, %add3A_281 : vector<48x960xi32>
    %xor3A_283 = arith.xori %add3A_277, %add3A_282 : vector<48x960xi32>
    %shift_right_logical3A_284 = arith.constant 9 : i32
    %shift_right_logical3A_285 = vector.broadcast %shift_right_logical3A_284 : i32 to vector<48x960xi32>
    %shift_right_logical3A_286 = arith.shrui %xor3A_283, %shift_right_logical3A_285 : vector<48x960xi32>
    %or3A_287 = arith.constant 1065353216 : i32
    %or3A_288 = vector.broadcast %or3A_287 : i32 to vector<48x960xi32>
    %or3A_289 = arith.ori %shift_right_logical3A_286, %or3A_288 : vector<48x960xi32>
    %bitcast_convert_type3A = tpu.bitcast %or3A_289 : vector<48x960xi32> -> vector<48x960xf32>
    %sub3A_290 = arith.constant 1.000000e+00 : f32
    %sub3A_291 = vector.broadcast %sub3A_290 : f32 to vector<48x960xf32>
    %sub3A_292 = arith.subf %bitcast_convert_type3A, %sub3A_291 : vector<48x960xf32>
    %max3A = arith.constant 0.000000e+00 : f32
    %max3A_293 = vector.broadcast %max3A : f32 to vector<48x960xf32>
    %max3A_294 = arith.maximumf %max3A_293, %sub3A_292 : vector<48x960xf32>
    %add3A_295 = arith.constant 9.99999993E-9 : f32
    %add3A_296 = vector.broadcast %add3A_295 : f32 to vector<48x960xf32>
    %add3A_297 = arith.addf %max3A_294, %add3A_296 : vector<48x960xf32>
    %log3A = math.log %add3A_297 : vector<48x960xf32>
    %neg3A = arith.constant 0.000000e+00 : f32
    %neg3A_298 = vector.broadcast %neg3A : f32 to vector<48x960xf32>
    %neg3A_299 = arith.subf %neg3A_298, %log3A : vector<48x960xf32>
    %add3A_300 = arith.constant 9.99999993E-9 : f32
    %add3A_301 = vector.broadcast %add3A_300 : f32 to vector<48x960xf32>
    %add3A_302 = arith.addf %neg3A_299, %add3A_301 : vector<48x960xf32>
    %log3A_303 = math.log %add3A_302 : vector<48x960xf32>
    %neg3A_304 = arith.constant 0.000000e+00 : f32
    %neg3A_305 = vector.broadcast %neg3A_304 : f32 to vector<48x960xf32>
    %neg3A_306 = arith.subf %neg3A_305, %log3A_303 : vector<48x960xf32>
    %get3A_307 = arith.constant 0 : index
    %get3A_308 = arith.constant 0 : index
    %get3A_309 = arith.constant 0 : index
    %get3A_310 = arith.constant 0 : index
    %get3A_311 = arith.constant 0 : index
    %get3A_312 = vector.load %arg4[%get3A_307, %get3A_308, %get3A_309, %get3A_310, %get3A_311] : memref<1x1x4x48x192xf32, #tpu.memory_space<vmem>>, vector<1x1x1x48x192xf32>
    %get3A_313 = vector.shape_cast %get3A_312 : vector<1x1x1x48x192xf32> to vector<48x192xf32>
    %get3A_314 = arith.constant 0 : index
    %get3A_315 = arith.constant 0 : index
    %get3A_316 = arith.constant 1 : index
    %get3A_317 = arith.constant 0 : index
    %get3A_318 = arith.constant 0 : index
    %get3A_319 = vector.load %arg4[%get3A_314, %get3A_315, %get3A_316, %get3A_317, %get3A_318] : memref<1x1x4x48x192xf32, #tpu.memory_space<vmem>>, vector<1x1x1x48x192xf32>
    %get3A_320 = vector.shape_cast %get3A_319 : vector<1x1x1x48x192xf32> to vector<48x192xf32>
    %get3A_321 = arith.constant 0 : index
    %get3A_322 = arith.constant 0 : index
    %get3A_323 = arith.constant 2 : index
    %get3A_324 = arith.constant 0 : index
    %get3A_325 = arith.constant 0 : index
    %get3A_326 = vector.load %arg4[%get3A_321, %get3A_322, %get3A_323, %get3A_324, %get3A_325] : memref<1x1x4x48x192xf32, #tpu.memory_space<vmem>>, vector<1x1x1x48x192xf32>
    %get3A_327 = vector.shape_cast %get3A_326 : vector<1x1x1x48x192xf32> to vector<48x192xf32>
    %get3A_328 = arith.constant 0 : index
    %get3A_329 = arith.constant 0 : index
    %get3A_330 = arith.constant 3 : index
    %get3A_331 = arith.constant 0 : index
    %get3A_332 = arith.constant 0 : index
    %get3A_333 = vector.load %arg4[%get3A_328, %get3A_329, %get3A_330, %get3A_331, %get3A_332] : memref<1x1x4x48x192xf32, #tpu.memory_space<vmem>>, vector<1x1x1x48x192xf32>
    %get3A_334 = vector.shape_cast %get3A_333 : vector<1x1x1x48x192xf32> to vector<48x192xf32>
    %max3A_335 = arith.maximumf %get3A_313, %get3A_320 : vector<48x192xf32>
    %max3A_336 = arith.maximumf %get3A_327, %get3A_334 : vector<48x192xf32>
    %max3A_337 = arith.maximumf %max3A_335, %max3A_336 : vector<48x192xf32>
    %max3A_338 = arith.constant 0.000000e+00 : f32
    %max3A_339 = vector.broadcast %max3A_338 : f32 to vector<48x192xf32>
    %max3A_340 = arith.maximumf %max3A_337, %max3A_339 : vector<48x192xf32>
    %sub3A_341 = arith.subf %get3A_313, %max3A_340 : vector<48x192xf32>
    %exp3A = math.exp %sub3A_341 : vector<48x192xf32>
    %sub3A_342 = arith.subf %get3A_320, %max3A_340 : vector<48x192xf32>
    %exp3A_343 = math.exp %sub3A_342 : vector<48x192xf32>
    %sub3A_344 = arith.subf %get3A_327, %max3A_340 : vector<48x192xf32>
    %exp3A_345 = math.exp %sub3A_344 : vector<48x192xf32>
    %sub3A_346 = arith.subf %get3A_334, %max3A_340 : vector<48x192xf32>
    %exp3A_347 = math.exp %sub3A_346 : vector<48x192xf32>
    %neg3A_348 = arith.constant 0.000000e+00 : f32
    %neg3A_349 = vector.broadcast %neg3A_348 : f32 to vector<48x192xf32>
    %neg3A_350 = arith.subf %neg3A_349, %max3A_340 : vector<48x192xf32>
    %exp3A_351 = math.exp %neg3A_350 : vector<48x192xf32>
    %add3A_352 = arith.addf %exp3A, %exp3A_343 : vector<48x192xf32>
    %add3A_353 = arith.addf %add3A_352, %exp3A_345 : vector<48x192xf32>
    %add3A_354 = arith.addf %add3A_353, %exp3A_347 : vector<48x192xf32>
    %add3A_355 = arith.addf %add3A_354, %exp3A_351 : vector<48x192xf32>
    %add3A_356 = arith.constant 9.99999993E-9 : f32
    %add3A_357 = vector.broadcast %add3A_356 : f32 to vector<48x192xf32>
    %add3A_358 = arith.addf %add3A_355, %add3A_357 : vector<48x192xf32>
    %div3A_359 = arith.constant 1.000000e+00 : f32
    %div3A_360 = vector.broadcast %div3A_359 : f32 to vector<48x192xf32>
    %div3A_361 = arith.divf %div3A_360, %add3A_358 : vector<48x192xf32>
    %mul3A_362 = arith.mulf %exp3A, %div3A_361 : vector<48x192xf32>
    %mul3A_363 = arith.mulf %exp3A_343, %div3A_361 : vector<48x192xf32>
    %mul3A_364 = arith.mulf %exp3A_345, %div3A_361 : vector<48x192xf32>
    %mul3A_365 = arith.mulf %exp3A_347, %div3A_361 : vector<48x192xf32>
    %mul3A_366 = arith.mulf %exp3A_351, %div3A_361 : vector<48x192xf32>
    %add3A_367 = arith.constant 9.99999993E-9 : f32
    %add3A_368 = vector.broadcast %add3A_367 : f32 to vector<48x192xf32>
    %add3A_369 = arith.addf %mul3A_362, %add3A_368 : vector<48x192xf32>
    %log3A_370 = math.log %add3A_369 : vector<48x192xf32>
    %slice3A = vector.extract_strided_slice %neg3A_306 {offsets = [0, 0], sizes = [48, 192], strides = [1, 1]} : vector<48x960xf32> to vector<48x192xf32>
    %add3A_371 = arith.addf %log3A_370, %slice3A : vector<48x192xf32>
    %broadcast_in_dim3A_372 = arith.constant 0 : i32
    %broadcast_in_dim3A_373 = vector.broadcast %broadcast_in_dim3A_372 : i32 to vector<48x192xi32>
    %add3A_374 = arith.constant 9.99999993E-9 : f32
    %add3A_375 = vector.broadcast %add3A_374 : f32 to vector<48x192xf32>
    %add3A_376 = arith.addf %mul3A_363, %add3A_375 : vector<48x192xf32>
    %log3A_377 = math.log %add3A_376 : vector<48x192xf32>
    %slice3A_378 = vector.extract_strided_slice %neg3A_306 {offsets = [0, 192], sizes = [48, 192], strides = [1, 1]} : vector<48x960xf32> to vector<48x192xf32>
    %add3A_379 = arith.addf %log3A_377, %slice3A_378 : vector<48x192xf32>
    %gt3A = arith.cmpf ogt, %add3A_379, %add3A_371 : vector<48x192xf32>
    %jit3A_380 = arith.constant 1 : i32
    %broadcast_in_dim3A_381 = vector.broadcast %jit3A_380 : i32 to vector<48x192xi32>
    %select_n3A_382 = arith.select %gt3A, %broadcast_in_dim3A_381, %broadcast_in_dim3A_373 : vector<48x192xi1>, vector<48x192xi32>
    %max3A_383 = arith.maximumf %add3A_371, %add3A_379 : vector<48x192xf32>
    %add3A_384 = arith.constant 9.99999993E-9 : f32
    %add3A_385 = vector.broadcast %add3A_384 : f32 to vector<48x192xf32>
    %add3A_386 = arith.addf %mul3A_364, %add3A_385 : vector<48x192xf32>
    %log3A_387 = math.log %add3A_386 : vector<48x192xf32>
    %slice3A_388 = vector.extract_strided_slice %neg3A_306 {offsets = [0, 384], sizes = [48, 192], strides = [1, 1]} : vector<48x960xf32> to vector<48x192xf32>
    %add3A_389 = arith.addf %log3A_387, %slice3A_388 : vector<48x192xf32>
    %gt3A_390 = arith.cmpf ogt, %add3A_389, %max3A_383 : vector<48x192xf32>
    %jit3A_391 = arith.constant 2 : i32
    %broadcast_in_dim3A_392 = vector.broadcast %jit3A_391 : i32 to vector<48x192xi32>
    %select_n3A_393 = arith.select %gt3A_390, %broadcast_in_dim3A_392, %select_n3A_382 : vector<48x192xi1>, vector<48x192xi32>
    %max3A_394 = arith.maximumf %max3A_383, %add3A_389 : vector<48x192xf32>
    %add3A_395 = arith.constant 9.99999993E-9 : f32
    %add3A_396 = vector.broadcast %add3A_395 : f32 to vector<48x192xf32>
    %add3A_397 = arith.addf %mul3A_365, %add3A_396 : vector<48x192xf32>
    %log3A_398 = math.log %add3A_397 : vector<48x192xf32>
    %slice3A_399 = vector.extract_strided_slice %neg3A_306 {offsets = [0, 576], sizes = [48, 192], strides = [1, 1]} : vector<48x960xf32> to vector<48x192xf32>
    %add3A_400 = arith.addf %log3A_398, %slice3A_399 : vector<48x192xf32>
    %gt3A_401 = arith.cmpf ogt, %add3A_400, %max3A_394 : vector<48x192xf32>
    %jit3A_402 = arith.constant 3 : i32
    %broadcast_in_dim3A_403 = vector.broadcast %jit3A_402 : i32 to vector<48x192xi32>
    %select_n3A_404 = arith.select %gt3A_401, %broadcast_in_dim3A_403, %select_n3A_393 : vector<48x192xi1>, vector<48x192xi32>
    %max3A_405 = arith.maximumf %max3A_394, %add3A_400 : vector<48x192xf32>
    %add3A_406 = arith.constant 9.99999993E-9 : f32
    %add3A_407 = vector.broadcast %add3A_406 : f32 to vector<48x192xf32>
    %add3A_408 = arith.addf %mul3A_366, %add3A_407 : vector<48x192xf32>
    %log3A_409 = math.log %add3A_408 : vector<48x192xf32>
    %slice3A_410 = vector.extract_strided_slice %neg3A_306 {offsets = [0, 768], sizes = [48, 192], strides = [1, 1]} : vector<48x960xf32> to vector<48x192xf32>
    %add3A_411 = arith.addf %log3A_409, %slice3A_410 : vector<48x192xf32>
    %gt3A_412 = arith.cmpf ogt, %add3A_411, %max3A_405 : vector<48x192xf32>
    %jit3A_413 = arith.constant 4 : i32
    %broadcast_in_dim3A_414 = vector.broadcast %jit3A_413 : i32 to vector<48x192xi32>
    %select_n3A_415 = arith.select %gt3A_412, %broadcast_in_dim3A_414, %select_n3A_404 : vector<48x192xi1>, vector<48x192xi32>
    %eq3A_416 = arith.constant 0 : i32
    %eq3A_417 = vector.broadcast %eq3A_416 : i32 to vector<48x192xi32>
    %eq3A_418 = arith.cmpi eq, %select_n3A_415, %eq3A_417 : vector<48x192xi32>
    %jit3A_419 = arith.constant 0.000000e+00 : f32
    %broadcast_in_dim3A_420 = vector.broadcast %jit3A_419 : f32 to vector<48x192xf32>
    %select_n3A_421 = arith.select %eq3A_418, %mul3A_362, %broadcast_in_dim3A_420 : vector<48x192xi1>, vector<48x192xf32>
    %eq3A_422 = arith.constant 1 : i32
    %eq3A_423 = vector.broadcast %eq3A_422 : i32 to vector<48x192xi32>
    %eq3A_424 = arith.cmpi eq, %select_n3A_415, %eq3A_423 : vector<48x192xi32>
    %jit3A_425 = arith.constant 0.000000e+00 : f32
    %broadcast_in_dim3A_426 = vector.broadcast %jit3A_425 : f32 to vector<48x192xf32>
    %select_n3A_427 = arith.select %eq3A_424, %mul3A_363, %broadcast_in_dim3A_426 : vector<48x192xi1>, vector<48x192xf32>
    %eq3A_428 = arith.constant 2 : i32
    %eq3A_429 = vector.broadcast %eq3A_428 : i32 to vector<48x192xi32>
    %eq3A_430 = arith.cmpi eq, %select_n3A_415, %eq3A_429 : vector<48x192xi32>
    %jit3A_431 = arith.constant 0.000000e+00 : f32
    %broadcast_in_dim3A_432 = vector.broadcast %jit3A_431 : f32 to vector<48x192xf32>
    %select_n3A_433 = arith.select %eq3A_430, %mul3A_364, %broadcast_in_dim3A_432 : vector<48x192xi1>, vector<48x192xf32>
    %eq3A_434 = arith.constant 3 : i32
    %eq3A_435 = vector.broadcast %eq3A_434 : i32 to vector<48x192xi32>
    %eq3A_436 = arith.cmpi eq, %select_n3A_415, %eq3A_435 : vector<48x192xi32>
    %jit3A_437 = arith.constant 0.000000e+00 : f32
    %broadcast_in_dim3A_438 = vector.broadcast %jit3A_437 : f32 to vector<48x192xf32>
    %select_n3A_439 = arith.select %eq3A_436, %mul3A_365, %broadcast_in_dim3A_438 : vector<48x192xi1>, vector<48x192xf32>
    %get3A_440 = arith.constant 0 : index
    %get3A_441 = arith.constant 0 : index
    %get3A_442 = vector.load %arg5[%get3A_440, %get3A_441] : memref<384x192xf32, #tpu.memory_space<vmem>>, vector<384x192xf32>
    %dot_general3A = arith.constant dense<0.000000e+00> : vector<48x384xf32>
    %dot_general3A_443 = tpu.matmul %select_n3A_421, %get3A_442, %dot_general3A {dimension_numbers = #tpu.dot_dimension_numbers<[1], [1], [0], [0], [0, 0, 1, 0], [], []>, transpose_lhs_hint = false} : vector<48x192xf32>, vector<384x192xf32>, vector<48x384xf32> -> vector<48x384xf32>
    %get3A_444 = arith.constant 0 : index
    %get3A_445 = arith.constant 0 : index
    %get3A_446 = vector.load %arg6[%get3A_444, %get3A_445] : memref<384x192xf32, #tpu.memory_space<vmem>>, vector<384x192xf32>
    %dot_general3A_447 = arith.constant dense<0.000000e+00> : vector<48x384xf32>
    %dot_general3A_448 = tpu.matmul %select_n3A_427, %get3A_446, %dot_general3A_447 {dimension_numbers = #tpu.dot_dimension_numbers<[1], [1], [0], [0], [0, 0, 1, 0], [], []>, transpose_lhs_hint = false} : vector<48x192xf32>, vector<384x192xf32>, vector<48x384xf32> -> vector<48x384xf32>
    %add3A_449 = arith.addf %dot_general3A_443, %dot_general3A_448 : vector<48x384xf32>
    %swap3A = arith.constant 0 : index
    %swap3A_450 = arith.constant 0 : index
    %swap3A_451 = arith.constant 0 : index
    %swap3A_452 = arith.constant 0 : index
    %swap3A_453 = vector.load %arg7[%swap3A, %swap3A_450, %swap3A_451, %swap3A_452] : memref<1x1x48x768xf32, #tpu.memory_space<vmem>>, vector<1x1x48x384xf32>
    %swap3A_454 = vector.shape_cast %swap3A_453 : vector<1x1x48x384xf32> to vector<48x384xf32>
    %swap3A_455 = vector.shape_cast %add3A_449 : vector<48x384xf32> to vector<1x1x48x384xf32>
    tpu.vector_store %arg7[%swap3A, %swap3A_450, %swap3A_451, %swap3A_452], %swap3A_455 {strides = array<i32>} : memref<1x1x48x768xf32, #tpu.memory_space<vmem>>, vector<1x1x48x384xf32>,
    %get3A_456 = arith.constant 0 : index
    %get3A_457 = arith.constant 0 : index
    %get3A_458 = vector.load %arg5[%get3A_456, %get3A_457] : memref<384x192xf32, #tpu.memory_space<vmem>>, vector<384x192xf32>
    %dot_general3A_459 = arith.constant dense<0.000000e+00> : vector<48x384xf32>
    %dot_general3A_460 = tpu.matmul %select_n3A_433, %get3A_458, %dot_general3A_459 {dimension_numbers = #tpu.dot_dimension_numbers<[1], [1], [0], [0], [0, 0, 1, 0], [], []>, transpose_lhs_hint = false} : vector<48x192xf32>, vector<384x192xf32>, vector<48x384xf32> -> vector<48x384xf32>
    %get3A_461 = arith.constant 0 : index
    %get3A_462 = arith.constant 0 : index
    %get3A_463 = vector.load %arg6[%get3A_461, %get3A_462] : memref<384x192xf32, #tpu.memory_space<vmem>>, vector<384x192xf32>
    %dot_general3A_464 = arith.constant dense<0.000000e+00> : vector<48x384xf32>
    %dot_general3A_465 = tpu.matmul %select_n3A_439, %get3A_463, %dot_general3A_464 {dimension_numbers = #tpu.dot_dimension_numbers<[1], [1], [0], [0], [0, 0, 1, 0], [], []>, transpose_lhs_hint = false} : vector<48x192xf32>, vector<384x192xf32>, vector<48x384xf32> -> vector<48x384xf32>
    %add3A_466 = arith.addf %dot_general3A_460, %dot_general3A_465 : vector<48x384xf32>
    %swap3A_467 = arith.constant 0 : index
    %swap3A_468 = arith.constant 0 : index
    %swap3A_469 = arith.constant 0 : index
    %swap3A_470 = arith.constant 384 : index
    %swap3A_471 = vector.load %arg7[%swap3A_467, %swap3A_468, %swap3A_469, %swap3A_470] : memref<1x1x48x768xf32, #tpu.memory_space<vmem>>, vector<1x1x48x384xf32>
    %swap3A_472 = vector.shape_cast %swap3A_471 : vector<1x1x48x384xf32> to vector<48x384xf32>
    %swap3A_473 = vector.shape_cast %add3A_466 : vector<48x384xf32> to vector<1x1x48x384xf32>
    tpu.vector_store %arg7[%swap3A_467, %swap3A_468, %swap3A_469, %swap3A_470], %swap3A_473 {strides = array<i32>} : memref<1x1x48x768xf32, #tpu.memory_space<vmem>>, vector<1x1x48x384xf32>,
    %add3A_474 = arith.addf %exp3A, %exp3A_343 : vector<48x192xf32>
    %add3A_475 = arith.addf %add3A_474, %exp3A_345 : vector<48x192xf32>
    %add3A_476 = arith.addf %add3A_475, %exp3A_347 : vector<48x192xf32>
    %mul3A_477 = arith.mulf %add3A_476, %div3A_361 : vector<48x192xf32>
    %swap3A_478 = arith.constant 0 : index
    %swap3A_479 = arith.constant 0 : index
    %swap3A_480 = arith.constant 0 : index
    %swap3A_481 = arith.constant 0 : index
    %swap3A_482 = vector.load %arg8[%swap3A_478, %swap3A_479, %swap3A_480, %swap3A_481] : memref<1x1x48x192xf32, #tpu.memory_space<vmem>>, vector<1x1x48x192xf32>
    %swap3A_483 = vector.shape_cast %swap3A_482 : vector<1x1x48x192xf32> to vector<48x192xf32>
    %swap3A_484 = vector.shape_cast %mul3A_477 : vector<48x192xf32> to vector<1x1x48x192xf32>
    tpu.vector_store %arg8[%swap3A_478, %swap3A_479, %swap3A_480, %swap3A_481], %swap3A_484 {strides = array<i32>} : memref<1x1x48x192xf32, #tpu.memory_space<vmem>>, vector<1x1x48x192xf32>,
    %swap3A_485 = arith.constant 0 : index
    %swap3A_486 = arith.constant 0 : index
    %swap3A_487 = arith.constant 0 : index
    %swap3A_488 = arith.constant 0 : index
    %swap3A_489 = vector.load %arg9[%swap3A_485, %swap3A_486, %swap3A_487, %swap3A_488] : memref<1x1x48x192xi32, #tpu.memory_space<vmem>>, vector<1x1x48x192xi32>
    %swap3A_490 = vector.shape_cast %swap3A_489 : vector<1x1x48x192xi32> to vector<48x192xi32>
    %swap3A_491 = vector.shape_cast %select_n3A_415 : vector<48x192xi32> to vector<1x1x48x192xi32>
    tpu.vector_store %arg9[%swap3A_485, %swap3A_486, %swap3A_487, %swap3A_488], %swap3A_491 {strides = array<i32>} : memref<1x1x48x192xi32, #tpu.memory_space<vmem>>, vector<1x1x48x192xi32>,
    return
  }
  func.func @transform_0(%arg0: i32, %arg1: i32, %arg2: i32, %arg3: memref<2xi32, #tpu.memory_space<smem>>) -> (i32, i32, i32, i32, i32) {
    %c0_i32 = arith.constant 0 : i32
    %c0_i32_0 = arith.constant 0 : i32
    %c0_i32_1 = arith.constant 0 : i32
    return %arg0, %arg1, %c0_i32, %arg2, %c0_i32_0 : i32, i32, i32, i32, i32
  }
  func.func @transform_1(%arg0: i32, %arg1: i32, %arg2: i32, %arg3: memref<2xi32, #tpu.memory_space<smem>>) -> (i32, i32) {
    %c0_i32 = arith.constant 0 : i32
    %c0_i32_0 = arith.constant 0 : i32
    %c0_i32_1 = arith.constant 0 : i32
    return %c0_i32, %c0_i32_0 : i32, i32
  }
  func.func @transform_2(%arg0: i32, %arg1: i32, %arg2: i32, %arg3: memref<2xi32, #tpu.memory_space<smem>>) -> (i32, i32) {
    %c0_i32 = arith.constant 0 : i32
    %c0_i32_0 = arith.constant 0 : i32
    %c0_i32_1 = arith.constant 0 : i32
    return %c0_i32, %c0_i32_0 : i32, i32
  }
  func.func @transform_3(%arg0: i32, %arg1: i32, %arg2: i32, %arg3: memref<2xi32, #tpu.memory_space<smem>>) -> (i32, i32, i32, i32) {
    %c0_i32 = arith.constant 0 : i32
    %c0_i32_0 = arith.constant 0 : i32
    return %arg0, %arg1, %arg2, %c0_i32 : i32, i32, i32, i32
  }
  func.func @transform_4(%arg0: i32, %arg1: i32, %arg2: i32, %arg3: memref<2xi32, #tpu.memory_space<smem>>) -> (i32, i32, i32, i32) {
    %c0_i32 = arith.constant 0 : i32
    %c0_i32_0 = arith.constant 0 : i32
    return %arg0, %arg1, %arg2, %c0_i32 : i32, i32, i32, i32
  }
  func.func @transform_5(%arg0: i32, %arg1: i32, %arg2: i32, %arg3: memref<2xi32, #tpu.memory_space<smem>>) -> (i32, i32, i32, i32) {
    %c0_i32 = arith.constant 0 : i32
    %c0_i32_0 = arith.constant 0 : i32
    return %arg0, %arg1, %arg2, %c0_i32 : i32, i32, i32, i32
  }
}

</mosaic_0001>

<sc_bundles>
// kernel: sparse-core-data-format-call.cloned.1.call-start
scs
called_computation_lowered:
.L_overlay_start_0:
0x0: {  	s1 =	sld [smem:$0x3FD9]  }
0x1: {  	s2 =	sld [smem:$0x3FFE];
	_ =	sdelay $0x1  }
0x2: {  	s3 =	srdreg.scid  }
0x3: {  	s0 =	sand.u32 $0x1, s3  }
0x4: {  	s17 =	sshll.u32 s0, $0xA;
	s1 =	sadd.s32 s2, s1  }
0x5: {  	s1 =	sadd.s32 s1, s17  }
0x6: {  	[smem:$0x3FC7] =	sst s1  }
0x7: {  	_ = 	snop  }
0x8: {  	(tm) =	ssettm $0x1  }
0x9: {  	s18 =	sld [smem:$0x3FFB];
	_ =	sdelay $0x3  }
0xa: {  	_ =	strace s18  }
0xb: {  	s1 =	sld [smem:$0x3FFC];
	_ =	sdelay $0x3  }
0xc: {  	_ =	strace s1  }
0xd: {  	s1 =	sld [smem:$0x3FFD];
	_ =	sdelay $0x3  }
0xe: {  	_ =	strace s1  }
0xf: {  	_ =	strace $0x8FFFFFFF  }
0x10: {  	s19 =	sld [smem:$0x3FDB];
	_ =	sdelay $0x1  }
0x11: {  	s20 =	simm.s32 $_scs_section_size  }
0x12: {  	s4 =	simm.s32 $_size__tile_overlayer_lowered;
	s5 =	simm.s32 $_tile_overlayer_lowered  }
0x13: {  	s23 =	simm.s32 $0x1BFF;
	s22 =	sshll.u32 s5, $0x1;
	s1 =	sadd.s32 s20, s19  }
0x14: {  	s6 =	simm.s32 $0x0;
	s21 =	sshll.u32 s4, $0x1;
	s4 =	sadd.s32 s22, s1  }
0x15: {  	[timem:s6], [sflag:s23] =	dma.local [hbm:s4], s21  }
0x16: {  	_ =	swait.ge [sflag:s23], s21  }
0x17: {  	s2 =	ssub.s32 $0x0, s21;
	[sflag:s23] =	ssyncset.done $0x0  }
0x18: {  	[sflag:s23] =	ssyncadd.s32 s2;
	_ =	sdelay $0x1  }
0x19: {  	s24 =	simm.s32 $0x1B8B  }
0x1a: {  	_ =	swait.ge [sflag:s24], $0x1  }
0x1b: {  	[sflag:s24] =	ssyncset.done $0x0  }
0x1c: {  	s26 =	simm.s32 $0x1B8E;
	s25 =	sld [smem:$0x3FFE];
	[sflag:s24] =	ssyncadd.s32 $0xFFFFFFFF  }
0x1d: {  	s27 =	simm.s32 $execute0_lowered;
	[smem:$0x3FD2] =	sst s26  }
0x1e: {  	s4 =	sshll.u32 s27, $0x1;
	_ =	strace $0x80000046;
	[dreg:$0x1] =	wrdreg $0xFFFFFFFF  }
0x1f: {  	s28 =	simm.s32 $_size_execute0_lowered;
	s1 =	sadd.s32 s1, s4;
	[dreg:$0x0] =	wrdreg $0x0  }
0x20: {  	s4 =	sshll.u32 s28, $0x1;
	[dreg:$0x2] =	wrdreg s1  }
0x21: {  	[dreg:$0x3] =	wrdreg s4  }
0x22: {  	[dreg:$0x4] =	wrdreg $0xC0  }
0x23: {  	_ =	task [dreg:s6], $0x5FFFF  }
0x24: {  	[dreg:$0x1] =	wrdreg $0xFFFFFFFF  }
0x25: {  	[dreg:$0x0] =	wrdreg $0x60  }
0x26: {  	[dreg:$0x2] =	wrdreg s25  }
0x27: {  	[dreg:$0x3] =	wrdreg $0x9  }
0x28: {  	_ =	task.clear_ibuf [dreg:s6], $0x4FFFF;
	_ =	strace $0x90000046  }
0x29: {  	s29 =	simm.s32 $0x9;
	_ =	strace $0x80000048  }
0x2a: {  	_ =	swait.ge [sflag:s29], $0x1  }
0x2b: {  	[sflag:s29] =	ssyncadd.s32 $0xFFFFFFFF  }
0x2c: {  	_ =	strace $0x90000048  }
0x2d: {  	_ =	sfence  }
0x2e: {  	s30 =	sld [smem:$0x0];
	_ =	sdelay $0x2  }
0x2f: {  	s31 =	sshll.u32 s3, $0xD;
	s3 =	sshrl.u32 s3, $0x2  }
0x30: {  	s2 =	sand.u32 $0x4000, s31;
	s1 =	sadd.s32 s3, s30  }
0x31: {  	s0 =	sor.u32 s2, s0;
	s1 =	sshll.u32 s1, $0x11  }
0x32: {  	s0 =	sor.u32 s1, s0  }
0x33: {  	s0 =	sadd.s32 $0x8F2B, s0  }
0x34: {  	[sflag:s0] =	ssyncadd.remote.s32 $0x1  }
0x35: {  	_ =	sfence.sel $0xFFFF  }
0x36: {  	[dreg:$0x0] =	wrdreg $0xFFFFFFFF;
	(pc) =	sbr.abs _section_cstart, $3  }
0x37: {  	[dreg:$0x1] =	wrdreg $0xFFFFFFFF  }
0x38: {  	_ =	task.clear_ibuf [dreg:s6], $0x2FFFF;
	_ =	strace $0x9FFFFFFF  }
0x39: {  	(tm) =	ssettm $0x7FFFFFFF  }
tec
execute0_lowered:
.L_overlay_start_1:
0x0: {  	(tag) =	ssettag $0x1  }
0x1: {  	s0 =	rddreg [dreg:$0x0]  }
0x2: {  	_ =	strace $0x80000047;
	s1 =	srdreg.scid;
	s29 =	stileid.u32  }
0x3: {  	s30 =	simm.s32 $0x1;
	s31 =	simm.s32 $0x2;
	s21 =	simm.s32 $0x0  }
0x4: {  	p0 =	por $0x0, $0x0;
	s6 =	simm.s32 $0x0;
	s23 =	simm.s32 $0x0  }
0x5: {  	s22 =	simm.s32 $0x0;
	s24 =	simm.s32 $0x0;
	s10 =	simm.s32 $0x0  }
0x6: {  	s11 =	simm.s32 $0x0;
	s12 =	simm.s32 $0x0;
	s14 =	simm.s32 $0x0  }
0x7: {  	s15 =	simm.s32 $0x0;
	s16 =	simm.s32 $0x0;
	s17 =	simm.s32 $0x0  }
0x8: {  	s18 =	simm.s32 $0x0;
	s13 =	simm.s32 $0x0;
	s2 =	sadd.s32 $0xC00, s0  }
.Ltmp0:
0x9: {  	s0 =	sadd.s32 $0x900C00, s0;
	s28 =	sshll.u32 s1, $0x4;
	(pc) =	sbr.rel .LBB1_1-.Ltmp0, $4  }
0xa: {  	[sflag:s30] =	ssyncpa.u1 $0x0;
	[dreg:$0x3] =	wrdreg s0;
	s0 =	sand.u32 $0x10, s28  }
0xb: {  	s8 =	sand.u32 $0x3, s29;
	[dreg:$0x2] =	wrdreg s2;
	s0 =	sor.u32 s29, s0  }
0xc: {  	[sflag:s31] =	ssyncpa.u1 $0x0;
	[dreg:$0x4] =	wrdreg s8;
	s9 =	sshrl.u32 s0, $0x2  }
0xd: {  	s20 =	smov.u32 s8;
	s19 =	smov.u32 s9;
	[dreg:$0x5] =	wrdreg s9  }
.LBB1_19:
0xe: {  	s14 =	rddreg [dreg:$0xa]  }
0xf: {  	s11 =	rddreg [dreg:$0x7]  }
0x10: {  	s4 =	rddreg [dreg:$0x16]  }
0x11: {  	s5 =	rddreg [dreg:$0x19]  }
0x12: {  	s18 =	rddreg [dreg:$0x18]  }
0x13: {  	s19 =	rddreg [dreg:$0x17]  }
0x14: {  	s20 =	rddreg [dreg:$0x1d]  }
0x15: {  	s22 =	rddreg [dreg:$0x1a]  }
0x16: {  	s15 =	rddreg [dreg:$0xb]  }
0x17: {  	s12 =	rddreg [dreg:$0x8]  }
0x18: {  	s10 =	rddreg [dreg:$0x6]  }
0x19: {  	s8 =	rddreg [dreg:$0x3]  }
0x1a: {  	s9 =	rddreg [dreg:$0x5]  }
0x1b: {  	s13 =	rddreg [dreg:$0x9]  }
0x1c: {  	s31 =	simm.s32 $0x30000;
	s16 =	rddreg [dreg:$0xc]  }
0x1d: {  	s0 =	sshll.u32 s14, $0x8;
	s1 =	sshll.u32 s11, $0x3;
	s4 =	smul.u32 s4, s5  }
0x1e: {  	s2 =	sshll.u32 s14, $0x7;
	p1 =	sgt.s32 s11, $0x80;
	s25 =	smul.u32 $0x240000, s15  }
0x1f: {  	s3 =	smov.u32 s11;
	s6 =	sand.u32 $0x78, s11;
	s7 =	smul.u32 $0x3000, s12  }
0x20: {  	s26 =	smul.u32 $0x1800, s10;
	s28 =	sand.u32 $0x7, s11;
	s0 =	sand.u32 $0xFFFFF800, s0  }
0x21: {  	s1 =	sand.u32 $0xFFFFFC00, s1;
	s17 =	sand.u32 $0x300, s2;
	s3 =	simm.s32 @!p1 $0x80  }
0x22: {  	s2 =	sand.u32 $0x80, s2;
	s5 =	sadd.s32 s8, s25;
	s8 =	rddreg [dreg:$0x4]  }
0x23: {  	s0 =	sadd.s32 s0, s1;
	s1 =	sadd.s32 s18, s3;
	s18 =	rddreg [dreg:$0xe]  }
0x24: {  	s29 =	sshll.u32 s28, $0x12;
	s3 =	smul.u32 s19, s4;
	s19 =	rddreg [dreg:$0xf]  }
0x25: {  	s4 =	smul.u32 $0x4080, s20;
	s2 =	sor.u32 s2, s6;
	s20 =	rddreg [dreg:$0x10]  }
0x26: {  	s0 =	sor.u32 s17, s0;
	s21 =	sadd.s32 $0xFFFFFF80, s1;
	s1 =	ssub.s32 $0x100, s1  }
0x27: {  	s0 =	sshrl.u32 s0, $0x8;
	p1 =	sgt.s32 s21, $0x7F;
	s3 =	smul.u32 s22, s3  }
0x28: {  	s6 =	rddreg [dreg:$0x11];
	s23 =	smulhi.u32 $0x1555556, s0;
	s1 =	simm.s32 @p1 $0x0  }
0x29: {  	s30 =	sor.u32 $0x80, s29;
	s17 =	rddreg [dreg:$0xd];
	s1 =	smul.u32 s1, s3  }
0x2a: {  	s27 =	sadd.s32 s7, s5;
	s21 =	rddreg [dreg:$0x12];
	s24 =	smul.u32 $0xC0, s23  }
0x2b: {  	s2 =	sshrl.u32 s2, $0x3;
	s4 =	sor.u32 $0x8000, s4;
	s22 =	rddreg [dreg:$0x13]  }
0x2c: {  	s3 =	sadd.s32 s26, s27;
	s1 =	smul.u32 $0x60, s1;
	s0 =	ssub.s32 s0, s24  }
0x2d: {  	s2 =	sadd.s32 s2, s3;
	s23 =	rddreg [dreg:$0x14];
	s0 =	sshll.u32 s0, $0x5  }
0x2e: {  	s24 =	rddreg [dreg:$0x15];
	s1 =	sand.u32 $0x3FFFFFE0, s1;
	s0 =	sadd.s32 s0, s2  }
0x2f: {  	[hbm4b:s0+s30] =	stream.strided.scatter [tilespmem:s4], [sflag:$0x2], s1, s31, s30, $0x20;
	[tilespmem:$0x10100] =	vst v63  }
.LBB1_20:
0x30: {  	p1 =	slt.u32 s13, $0x2;
	s0 =	smov.u32 s24;
	s3 =	smov.u32 s23  }
0x31: {  	s7 =	smov.u32 s17;
	s13 =	sadd.s32 $0x1, s13;
	p0 =	por !p0, !p0  }
0x32: {  	p2 =	sgt.s32 @!p1 s24, $0x3;
	s1 =	sshra.s32 @!p1 s24, $0x1F;
	s4 =	sshra.s32 @!p1 s6, $0x1F  }
0x33: {  	p2 =	por !p2, p1;
	s1 =	sand.u32 @!p1 s1, s24;
	s4 =	sand.u32 @!p1 s4, s6  }
0x34: {  	s24 =	smov.u32 s15;
	s15 =	smov.u32 s20;
	s0 =	simm.s32 @p2 $0x3  }
0x35: {  	p2 =	sgt.s32 @!p1 s23, $0x1;
	s0 =	ssub.s32 @!p1 s0, s1;
	s1 =	sshra.s32 @!p1 s23, $0x1F  }
0x36: {  	p2 =	por !p2, p1;
	s2 =	sadd.s32 @!p1 $0xFFFFFFFD, s0;
	s1 =	sand.u32 @!p1 s1, s23  }
0x37: {  	s0 =	ssub.s32 @!p1 $0x4, s0;
	s3 =	simm.s32 @p2 $0x1;
	s23 =	smov.u32 s12  }
0x38: {  	s12 =	smov.u32 s18;
	s1 =	sxor.u32 @!p1 $0xFFFFFFFF, s1;
	p2 =	sgt.s32 @!p1 s2, $0x0  }
0x39: {  	s0 =	smul.u32 @!p1 $0x60, s0;
	s2 =	sshra.s32 @!p1 s21, $0x1F;
	s1 =	sadd.s32 @!p1 s1, s3  }
0x3a: {  	p2 =	por !p2, p1;
	s2 =	sand.u32 @!p1 s2, s21;
	p3 =	sgt.s32 @!p1 s1, $0x0  }
0x3b: {  	s0 =	simm.s32 @!p2 $0x0;
	s1 =	ssub.s32 @!p1 $0x1, s1;
	p2 =	por !p3, p1  }
0x3c: {  	s3 =	sshra.s32 @!p1 s22, $0x1F;
	s1 =	simm.s32 @!p2 $0x0;
	p2 =	sgt.s32 @!p1 s21, $0x1  }
0x3d: {  	s0 =	smul.u32 @!p1 s1, s0;
	p2 =	por !p2, p1;
	s1 =	smov.u32 s21  }
0x3e: {  	s2 =	sxor.u32 @!p1 $0xFFFFFFFF, s2;
	s1 =	simm.s32 @p2 $0x1;
	p2 =	sgt.s32 @!p1 s22, $0xBF  }
0x3f: {  	s1 =	sadd.s32 @!p1 s2, s1;
	p2 =	por !p2, p1;
	s2 =	smov.u32 s22  }
0x40: {  	s3 =	sand.u32 @!p1 s3, s22;
	p3 =	sgt.s32 @!p1 s1, $0x0;
	s2 =	simm.s32 @p2 $0xBF  }
0x41: {  	s1 =	ssub.s32 @!p1 $0x1, s1;
	p2 =	por !p3, p1;
	s2 =	ssub.s32 @!p1 s2, s3  }
0x42: {  	s1 =	simm.s32 @!p2 $0x0;
	s3 =	sadd.s32 @!p1 $0xFFFFFF41, s2;
	p2 =	sgt.s32 @!p1 s6, $0x80  }
0x43: {  	p3 =	sgt.s32 @!p1 s3, $0x0;
	p2 =	por !p2, p1;
	s3 =	smov.u32 s6  }
0x44: {  	s2 =	ssub.s32 @!p1 $0xC0, s2;
	s6 =	sadd.s32 $0x80, s17;
	s3 =	simm.s32 @p2 $0x80  }
0x45: {  	p3 =	por !p3, p1;
	s3 =	ssub.s32 @!p1 s3, s4;
	s4 =	sadd.s32 $0x1, s16  }
0x46: {  	s2 =	simm.s32 @!p3 $0x0;
	s5 =	sadd.s32 @!p1 $0xFFFFFF80, s3;
	p2 =	sgt.s32 s4, $0x1  }
0x47: {  	s0 =	smul.u32 @!p1 s2, s0;
	s2 =	simm.s32 $0x1;
	s7 =	smov.u32 @p2 s6  }
0x48: {  	s3 =	ssub.s32 @!p1 $0x100, s3;
	p4 =	sgt.s32 @!p1 s5, $0x7F;
	p3 =	sgt.s32 s7, $0xBF  }
0x49: {  	s4 =	simm.s32 @p2 $0x0;
	s5 =	smov.u32 s19;
	s2 =	simm.s32 @!p3 $0x0  }
0x4a: {  	p4 =	por !p4, p1;
	s0 =	smul.u32 @!p1 s1, s0;
	s1 =	sadd.s32 s2, s18  }
0x4b: {  	s3 =	simm.s32 @!p4 $0x0;
	s2 =	sadd.s32 $0x8, s19;
	p2 =	sgt.s32 s1, $0x1  }
0x4c: {  	s7 =	simm.s32 @p3 $0x0;
	s0 =	smul.u32 @!p1 s3, s0;
	s5 =	smov.u32 @p2 s2  }
0x4d: {  	s3 =	smov.u32 s20;
	s2 =	sadd.s32 $0x4, s20;
	p3 =	sgt.s32 s5, $0xBF  }
0x4e: {  	s21 =	smov.u32 s10;
	s10 =	smov.u32 s16;
	s3 =	smov.u32 @p3 s2  }
0x4f: {  	s22 =	smov.u32 s14;
	s1 =	simm.s32 @p2 $0x0;
	p2 =	sgt.s32 s3, $0x3  }
0x50: {  	s14 =	smov.u32 s19;
	s3 =	smov.u32 @p2 s8;
	p2 =	sne.s32 s13, $0xC2  }
.Ltmp1:
0x51: {  	s6 =	smov.u32 s11;
	s11 =	smov.u32 s17;
	(pc) =	sbr.rel @!p2 .LBB1_21-.Ltmp1, $4  }
0x52: {  	s16 =	smov.u32 s4;
	s0 =	sand.u32 @!p1 $0x3FFFFFE0, s0;
	s2 =	simm.s32 @!p1 $0x2  }
0x53: {  	s17 =	smov.u32 s7;
	s18 =	smov.u32 s1;
	_ =	swait.ge @!p1 [sflag:s2], s0  }
0x54: {  	s5 =	smov.u32 @p3 s9;
	s0 =	ssub.s32 @!p1 $0x0, s0;
	[sflag:s2] =	ssyncset.done @!p1 $0x0  }
0x55: {  	s19 =	smov.u32 s5;
	[sflag:s2] =	ssyncadd.s32 @!p1 s0;
	s20 =	smov.u32 s3  }
.LBB1_1:
0x56: {  	p1 =	sgt.u32 s13, $0xBF  }
.Ltmp2:
0x57: {  	_ = 	snop;
	(pc) =	sbr.rel @p1 .LBB1_3-.Ltmp2, $1  }
0x58: {  	_ =	sdelay $0x3  }
0x59: {  	p1 =	sgt.s32 s20, $0x3  }
0x5a: {  	s0 =	smov.u32 s20;
	s1 =	sshra.s32 s20, $0x1F;
	s2 =	smov.u32 s19  }
0x5b: {  	s3 =	sshra.s32 s19, $0x1F;
	s26 =	sshra.s32 s18, $0x1F;
	s29 =	smul.u32 $0x240000, s20  }
0x5c: {  	p2 =	sgt.s32 s18, $0x1;
	s4 =	sshra.s32 s17, $0x1F;
	s30 =	smul.u32 $0x3000, s19  }
0x5d: {  	s27 =	sshra.s32 s16, $0x1F;
	s31 =	smul.u32 $0x1800, s18;
	s5 =	rddreg [dreg:$0x2]  }
0x5e: {  	s7 =	sxor.u32 $0xFFFFFFFF, s13;
	s0 =	simm.s32 @!p1 $0x3;
	p1 =	sgt.s32 s19, $0xBF  }
0x5f: {  	s1 =	sand.u32 s1, s20;
	s3 =	sand.u32 s3, s19;
	s2 =	simm.s32 @!p1 $0xBF  }
0x60: {  	s4 =	sand.u32 s4, s17;
	s0 =	ssub.s32 s0, s1;
	s25 =	ssub.s32 s2, s3  }
0x61: {  	s0 =	sadd.s32 $0xFFFFFFFD, s0;
	s3 =	sand.u32 s26, s18;
	s2 =	sadd.s32 $0xFFFFFF41, s25  }
0x62: {  	s1 =	ssub.s32 $0xC0, s25;
	p1 =	sgt.s32 s2, $0x0;
	s2 =	smov.u32 s18  }
0x63: {  	s3 =	sxor.u32 $0xFFFFFFFF, s3;
	s2 =	simm.s32 @!p2 $0x1;
	p2 =	sgt.s32 s0, $0x0  }
0x64: {  	s1 =	simm.s32 @p1 $0x0;
	p1 =	sgt.s32 s17, $0x40;
	s0 =	sshll.u32 s0, $0x7  }
0x65: {  	s2 =	sadd.s32 s3, s2;
	s3 =	smov.u32 s17;
	s0 =	ssub.s32 $0x80, s0  }
0x66: {  	s3 =	simm.s32 @!p1 $0x40;
	p1 =	sgt.s32 s2, $0x0;
	s0 =	simm.s32 @p2 $0x0  }
0x67: {  	s2 =	ssub.s32 $0x1, s2;
	s3 =	ssub.s32 s3, s4;
	s0 =	smul.u32 s1, s0  }
0x68: {  	s2 =	simm.s32 @p1 $0x0;
	s4 =	sadd.s32 $0xFFFFFFC0, s3;
	s1 =	ssub.s32 $0xC0, s3  }
0x69: {  	s3 =	sand.u32 s27, s16;
	p1 =	sgt.s32 s4, $0x7F;
	s0 =	smul.u32 s2, s0  }
0x6a: {  	s2 =	smov.u32 s16;
	s1 =	simm.s32 @p1 $0x0;
	p1 =	sgt.s32 s16, $0x1  }
0x6b: {  	s26 =	sshll.u32 s17, $0x5;
	s3 =	sxor.u32 $0xFFFFFFFF, s3;
	s2 =	simm.s32 @!p1 $0x1  }
0x6c: {  	s27 =	sshll.u32 s16, $0x4;
	s0 =	smul.u32 s1, s0;
	s28 =	sadd.s32 s3, s2  }
0x6d: {  	s2 =	sadd.s32 s5, s29;
	p1 =	sgt.s32 s28, $0x0;
	s1 =	ssub.s32 $0x1, s28  }
0x6e: {  	s3 =	sand.u32 $0x10, s27;
	s25 =	sadd.s32 s30, s2;
	s1 =	simm.s32 @p1 $0x0  }
0x6f: {  	s28 =	sshll.u32 s7, $0xE;
	s0 =	smul.u32 s1, s0;
	s1 =	sadd.s32 s31, s25  }
0x70: {  	s30 =	simm.s32 $0x80;
	s29 =	sand.u32 $0x4000, s28;
	s1 =	sadd.s32 s26, s1  }
0x71: {  	s31 =	simm.s32 $0x100;
	s0 =	sand.u32 $0x3FFFFF80, s0;
	s1 =	sadd.s32 s3, s1  }
0x72: {  	[tilespmem:s29], [sflag:$0x1] =	stream.strided.gather [hbm4b:s1+s30], s0, s31, s30, $0x38;
	[tilespmem:$0x10100] =	vst v63  }
.LBB1_3:
0x73: {  	p1 =	seq.s32 s13, $0x0  }
0x74: {  	p2 =	seq.s32 @!p1 s13, $0xC1  }
0x75: {  	p1 =	por p1, p2  }
.Ltmp3:
0x76: {  	_ = 	snop;
	(pc) =	sbr.rel @p1 .LBB1_20-.Ltmp3, $1  }
0x77: {  	_ =	sdelay $0x3  }
0x78: {  	[dreg:$0x15] =	wrdreg s24  }
0x79: {  	[dreg:$0x14] =	wrdreg s23  }
0x7a: {  	[dreg:$0x13] =	wrdreg s22  }
0x7b: {  	[dreg:$0x12] =	wrdreg s21  }
0x7c: {  	[dreg:$0x11] =	wrdreg s6  }
0x7d: {  	[dreg:$0x10] =	wrdreg s20  }
0x7e: {  	[dreg:$0xf] =	wrdreg s19  }
0x7f: {  	[dreg:$0xe] =	wrdreg s18  }
0x80: {  	[dreg:$0xd] =	wrdreg s17  }
0x81: {  	[dreg:$0xc] =	wrdreg s16  }
0x82: {  	p1 =	sgt.s32 s15, $0x3;
	s0 =	smov.u32 s15;
	s1 =	sshra.s32 s15, $0x1F  }
0x83: {  	s2 =	sshra.s32 s14, $0x1F;
	s21 =	sshra.s32 s12, $0x1F;
	[dreg:$0xb] =	wrdreg s15  }
0x84: {  	p3 =	sgt.s32 s12, $0x1;
	s24 =	ssub.s32 $0x0, s11;
	[dreg:$0xa] =	wrdreg s14  }
0x85: {  	s25 =	sshra.s32 s11, $0x1F;
	s27 =	sshra.s32 s10, $0x1F;
	[dreg:$0x8] =	wrdreg s12  }
0x86: {  	s0 =	simm.s32 @!p1 $0x3;
	s1 =	sand.u32 s1, s15;
	p1 =	sgt.s32 s14, $0xBF  }
0x87: {  	s2 =	sand.u32 s2, s14;
	s0 =	ssub.s32 s0, s1;
	s1 =	smov.u32 s14  }
0x88: {  	s26 =	sand.u32 s24, s25;
	s3 =	sadd.s32 $0xFFFFFFFD, s0;
	s1 =	simm.s32 @!p1 $0xBF  }
0x89: {  	p1 =	sgt.s32 s3, $0x0;
	s1 =	ssub.s32 s1, s2;
	s3 =	ssub.s32 $0x4, s0  }
0x8a: {  	s0 =	smov.u32 s12;
	s2 =	sand.u32 s21, s12;
	s20 =	sadd.s32 $0xFFFFFF41, s1  }
0x8b: {  	s4 =	ssub.s32 $0xC0, s1;
	s0 =	simm.s32 @!p3 $0x1;
	s22 =	sxor.u32 $0xFFFFFFFF, s2  }
0x8c: {  	s3 =	simm.s32 @p1 $0x0;
	s2 =	sand.u32 s27, s10;
	p2 =	sgt.s32 s20, $0x0  }
0x8d: {  	s0 =	sadd.s32 s22, s0;
	[dreg:$0x16] =	wrdreg s3;
	s4 =	simm.s32 @p2 $0x0  }
0x8e: {  	p1 =	sgt.s32 s0, $0x0;
	p2 =	sgt.s32 s11, $0x40;
	s5 =	ssub.s32 $0x1, s0  }
0x8f: {  	[dreg:$0x17] =	wrdreg s4;
	s23 =	smul.u32 s3, s4;
	s4 =	smov.u32 s11  }
0x90: {  	s2 =	sxor.u32 $0xFFFFFFFF, s2;
	s5 =	simm.s32 @p1 $0x0;
	s4 =	simm.s32 @!p2 $0x40  }
0x91: {  	p1 =	sgt.s32 s10, $0x1;
	s0 =	sadd.s32 s26, s4;
	s4 =	smov.u32 s10  }
0x92: {  	s1 =	smul.u32 s5, s23;
	s28 =	sadd.s32 $0xFFFFFFC0, s0;
	s4 =	simm.s32 @!p1 $0x1  }
0x93: {  	s0 =	ssub.s32 $0xC0, s0;
	p2 =	sgt.s32 s28, $0x7F;
	s2 =	sadd.s32 s2, s4  }
0x94: {  	s0 =	simm.s32 @p2 $0x0;
	p1 =	sgt.s32 s2, $0x0;
	s3 =	ssub.s32 $0x1, s2  }
0x95: {  	s0 =	smul.u32 s0, s1;
	s1 =	sadd.s32 $0x1, s15;
	s3 =	simm.s32 @p1 $0x0  }
0x96: {  	s2 =	sadd.s32 $0x1, s14;
	p1 =	slt.s32 s1, $0x4;
	[dreg:$0x1a] =	wrdreg s3  }
0x97: {  	s0 =	smul.u32 s3, s0;
	s1 =	simm.s32 @!p1 $0x4;
	p1 =	slt.s32 s2, $0xC0  }
0x98: {  	s29 =	ssub.s32 s1, s15;
	s2 =	simm.s32 @!p1 $0xC0;
	s1 =	sadd.s32 $0x1, s12  }
0x99: {  	s4 =	ssub.s32 s2, s14;
	p2 =	slt.s32 s1, $0x2;
	p1 =	slt.s32 s29, $0x1  }
0x9a: {  	s2 =	sadd.s32 $0x80, s11;
	s1 =	simm.s32 @!p2 $0x2;
	p2 =	slt.s32 @!p1 s4, $0x1  }
0x9b: {  	p3 =	slt.s32 s2, $0xC0;
	s1 =	ssub.s32 s1, s12;
	p2 =	por p1, p2  }
0x9c: {  	s3 =	sadd.s32 $0x1, s10;
	s2 =	simm.s32 @!p3 $0xC0;
	p3 =	slt.s32 @!p2 s1, $0x1  }
0x9d: {  	s8 =	ssub.s32 s2, s11;
	p2 =	por p2, p3;
	p3 =	slt.s32 s3, $0x2  }
0x9e: {  	[dreg:$0x7] =	wrdreg s11;
	s3 =	simm.s32 @!p3 $0x2;
	p3 =	slt.s32 @!p2 s8, $0x1  }
0x9f: {  	[dreg:$0x6] =	wrdreg s10;
	s9 =	ssub.s32 s3, s10;
	p2 =	por p2, p3  }
0xa0: {  	[dreg:$0x18] =	wrdreg s26;
	p3 =	slt.s32 @!p2 s9, $0x1  }
0xa1: {  	[dreg:$0x19] =	wrdreg s5;
	p2 =	por p2, p3  }
.Ltmp4:
0xa2: {  	[dreg:$0x1b] =	wrdreg s29;
	s0 =	sshll.u32 s0, $0x7;
	(pc) =	sbr.rel @p2 .LBB1_19-.Ltmp4, $4  }
0xa3: {  	s30 =	simm.s32 $0x1;
	[dreg:$0x1c] =	wrdreg s4;
	s0 =	sand.u32 $0x3FFFFF80, s0  }
0xa4: {  	s31 =	sand.u32 $0x1, s13;
	_ =	swait.ge [sflag:s30], s0  }
0xa5: {  	s0 =	ssub.s32 $0x0, s0;
	[dreg:$0x9] =	wrdreg s13;
	[sflag:s30] =	ssyncset.done $0x0  }
0xa6: {  	[dreg:$0x1d] =	wrdreg s31;
	[sflag:s30] =	ssyncadd.s32 s0  }
0xa7: {  	s0 =	simm.s32 $0x1  }
0xa8: {  	s0 =	simm.s32 @!p0 $0x0  }
0xa9: {  	s0 =	smul.u32 $0x10200, s0;
	_ =	sdelay $0x1  }
0xaa: {  	s0 =	sshrl.u32 s0, $0x2  }
0xab: {  	s2 =	sadd.s32 $0xA850, s0;
	s29 =	sadd.s32 $0xA040, s0  }
0xac: {  	s30 =	sadd.s32 $0x9830, s0;
	s31 =	sadd.s32 $0x9020, s0;
	s6 =	sadd.s32 $0x8810, s0  }
.Ltmp5:
0xad: {  	s28 =	sor.u32 $0x8000, s0;
	s0 =	rddreg [dreg:$0x1d];
	(pc) =	sbr.rel .LBB1_6-.Ltmp5, $4  }
0xae: {  	[dreg:$0x1e] =	wrdreg s2  }
0xaf: {  	[dreg:$0x1f] =	wrdreg s29  }
0xb0: {  	[smem:$0x7FC] =	sst s30  }
0xb1: {  	s26 =	simm.s32 $0x0;
	[smem:$0x7FD] =	sst s31;
	s7 =	sshll.u32 @!p1 s0, $0xE  }
.LBB1_18:
0xb2: {  	s0 =	rddreg [dreg:$0x1e]  }
0xb3: {  	s27 =	rddreg [dreg:$0x1f]  }
0xb4: {  	s26 =	sadd.s32 $0x1, s26;
	s30 =	rddreg [dreg:$0x1b]  }
0xb5: {  	s29 =	sld [smem:$0x7FC];
	p1 =	sne.s32 s26, s30  }
.Ltmp6:
0xb6: {  	s31 =	sld [smem:$0x7FD];
	s0 =	sadd.s32 $0x4080, s0;
	(pc) =	sbr.rel @!p1 .LBB1_19-.Ltmp6, $4  }
0xb7: {  	[dreg:$0x1e] =	wrdreg s0;
	s0 =	sadd.s32 $0x4080, s27  }
0xb8: {  	[dreg:$0x1f] =	wrdreg s0;
	s0 =	sadd.s32 $0x4080, s29  }
0xb9: {  	[smem:$0x7FC] =	sst s0;
	s0 =	sadd.s32 $0x4080, s31  }
0xba: {  	s6 =	sadd.s32 $0x4080, s6;
	s28 =	sadd.s32 $0x4080, s28;
	[smem:$0x7FD] =	sst s0  }
.LBB1_6:
.Ltmp7:
0xbb: {  	(pc) =	sbr.rel .LBB1_7-.Ltmp7, $2  }
0xbc: {  	_ =	sdelay $0x2  }
0xbd: {  	s27 =	simm.s32 $0x0;
	s29 =	simm.s32 $0x0  }
.LBB1_17:
0xbe: {  	s29 =	sadd.s32 $0x1, s29;
	s0 =	rddreg [dreg:$0x1c]  }
0xbf: {  	p1 =	sne.s32 s29, s0  }
.Ltmp8:
0xc0: {  	_ = 	snop;
	(pc) =	sbr.rel @!p1 .LBB1_18-.Ltmp8, $2  }
0xc1: {  	_ =	sdelay $0x2  }
0xc2: {  	s27 =	sadd.s32 $0x1, s27  }
.LBB1_7:
0xc3: {  	s0 =	sand.u32 $0x7, s27;
	s23 =	rddreg [dreg:$0x1e]  }
0xc4: {  	s24 =	rddreg [dreg:$0x1f];
	s0 =	smul.u32 $0x204, s0  }
.Ltmp9:
0xc5: {  	s25 =	sld [smem:$0x7FC];
	(pc) =	sbr.rel .LBB1_8-.Ltmp9, $4  }
0xc6: {  	s3 =	sld [smem:$0x7FD]  }
0xc7: {  	s18 =	sadd.s32 s26, s29;
	s22 =	simm.s32 $0x0;
	s2 =	sshrl.u32 s0, $0x2  }
0xc8: {  	s30 =	sadd.s32 s2, s23;
	s19 =	sadd.s32 s2, s24;
	s0 =	sadd.s32 s2, s25  }
0xc9: {  	s13 =	sadd.s32 s2, s3;
	s31 =	sadd.s32 s2, s6;
	s17 =	sadd.s32 s2, s28  }
.LBB1_16:
0xca: {  	s22 =	sadd.s32 $0x1, s22  }
0xcb: {  	p1 =	sne.s32 s22, s1  }
.Ltmp10:
0xcc: {  	_ = 	snop;
	(pc) =	sbr.rel @!p1 .LBB1_17-.Ltmp10, $3  }
0xcd: {  	_ =	sdelay $0x1  }
0xce: {  	s30 =	sadd.s32 $0x81, s30;
	s19 =	sadd.s32 $0x81, s19;
	s0 =	sadd.s32 $0x81, s0  }
0xcf: {  	s13 =	sadd.s32 $0x81, s13;
	s31 =	sadd.s32 $0x81, s31;
	s17 =	sadd.s32 $0x81, s17  }
.LBB1_8:
0xd0: {  	s2 =	sadd.s32 s22, s18  }
0xd1: {  	s2 =	sshll.u32 s2, $0x10  }
0xd2: {  	s2 =	sshra.s32 s2, $0x2  }
0xd3: {  	s24 =	simm.s32 $0x0;
	s14 =	simm.s32 $0x0;
	s23 =	sadd.s32 s2, s7  }
.LBB1_9:
0xd4: {  	s2 =	sshll.u32 s14, $0x9  }
0xd5: {  	s2 =	sshra.s32 s2, $0x2  }
0xd6: {  	s2 =	sadd.s32 s2, s23  }
0xd7: {  	v0 =	vmov s2;
	_ =	sdelay $0x2  }
0xd8: {  	s25 =	simm.s32 $0x0  }
0xd9: {  	p2 =	sne.s32 s9, $0x1;
	s2 =	sand.u32 $0x80, s25  }
.Ltmp11:
0xda: {  	v11 =	vld.idx.msk [tilespmem:v0+s2+$0x50 ss:$0x1], $0xffff;
	(pc) =	sbr.rel @!p2 .LBB1_10-.Ltmp11, $4  }
0xdb: {  	s3 =	sand.u32 $0x7F, s24;
	v10 =	vld.idx.msk [tilespmem:v0+s2+$0x0 ss:$0x1], $0xffff  }
0xdc: {  	s3 =	sshll.u32 s3, $0x2;
	v9 =	vld.idx.msk [tilespmem:v0+s2+$0x10 ss:$0x1], $0xffff  }
0xdd: {  	s4 =	simm.s32 $0x80;
	s25 =	sshrl.u32 s3, $0x2;
	v8 =	vld.idx.msk [tilespmem:v0+s2+$0x20 ss:$0x1], $0xffff  }
0xde: {  	p1 =	por $0x0, $0x0;
	s3 =	sadd.s32 $0xFFFFFFFF, s9;
	s20 =	sadd.s32 s25, s30;
	v6 =	vld.idx.msk [tilespmem:v0+s2+$0x30 ss:$0x1], $0xffff  }
0xdf: {  	_ =	sdelay $0x3  }
0xe0: {  	s11 =	sand.u32 $0x80, s4;
	v1 =	vld.idx.msk [tilespmem:v0+s2+$0x40 ss:$0x1], $0xffff;
	s16 =	sadd.s32 s25, s17;
	p2 =	sne.s32 s3, $0x1  }
.Ltmp12:
0xe1: {  	[tilespmem:s20+$0x0 ss:$0x81] =	vst.msk $0xffff, v11;
	s20 =	sadd.s32 s25, s31;
	s2 =	sadd.s32 $0xFFFFFFFF, s3;
	v2 =	vld.idx.msk [tilespmem:v0+s11+$0x50 ss:$0x1], $0xffff;
	(pc) =	sbr.rel @!p2 .LBB1_12-.Ltmp12, $4  }
0xe2: {  	s21 =	sadd.s32 s25, s13;
	s3 =	sadd.s32 $0x81, s30;
	s5 =	sadd.s32 s25, s0;
	v3 =	vld.idx.msk [tilespmem:v0+s11+$0x0 ss:$0x1], $0xffff;
	[tilespmem:s16+$0x0 ss:$0x81] =	vst.msk $0xffff, v10  }
0xe3: {  	s4 =	simm.s32 $0x100;
	p1 =	por $0x1, $0x1;
	s15 =	smov.u32 s31;
	v4 =	vld.idx.msk [tilespmem:v0+s11+$0x10 ss:$0x1], $0xffff;
	[tilespmem:s20+$0x0 ss:$0x81] =	vst.msk $0xffff, v9  }
0xe4: {  	s12 =	smov.u32 s13;
	s10 =	smov.u32 s0;
	v5 =	vld.idx.msk [tilespmem:v0+s11+$0x20 ss:$0x1], $0xffff;
	s16 =	sadd.s32 $0x81, s17;
	[tilespmem:s21+$0x0 ss:$0x81] =	vst.msk $0xffff, v8  }
0xe5: {  	v7 =	vld.idx.msk [tilespmem:v0+s11+$0x30 ss:$0x1], $0xffff;
	s20 =	sadd.s32 s25, s3;
	s21 =	smov.u32 s19;
	[tilespmem:s5+$0x0 ss:$0x81] =	vst.msk $0xffff, v6;
	s5 =	sadd.s32 s25, s19  }
.LBB1_13:
0xe6: {  	p2 =	sne.s32 s2, $0x1;
	s2 =	sadd.s32 $0xFFFFFFFF, s2;
	[tilespmem:s5+$0x0 ss:$0x81] =	vst.msk $0xffff, v1;
	v1 =	vld.idx.msk [tilespmem:v0+s11+$0x40 ss:$0x1], $0xffff;
	s11 =	sand.u32 $0x80, s4  }
.Ltmp13:
0xe7: {  	s5 =	sadd.s32 s25, s16;
	s15 =	sadd.s32 $0x81, s15;
	[tilespmem:s20+$0x0 ss:$0x81] =	vst.msk $0xffff, v2;
	v2 =	vld.idx.msk [tilespmem:v0+s11+$0x50 ss:$0x1], $0xffff;
	(pc) =	sbr.rel @p2 .LBB1_13-.Ltmp13, $4  }
0xe8: {  	s12 =	sadd.s32 $0x81, s12;
	[tilespmem:s5+$0x0 ss:$0x81] =	vst.msk $0xffff, v3;
	v3 =	vld.idx.msk [tilespmem:v0+s11+$0x0 ss:$0x1], $0xffff;
	s5 =	sadd.s32 s25, s15  }
0xe9: {  	s21 =	sadd.s32 $0x81, s21;
	s10 =	sadd.s32 $0x81, s10;
	[tilespmem:s5+$0x0 ss:$0x81] =	vst.msk $0xffff, v4;
	v4 =	vld.idx.msk [tilespmem:v0+s11+$0x10 ss:$0x1], $0xffff;
	s5 =	sadd.s32 s25, s12  }
0xea: {  	s3 =	sadd.s32 $0x81, s3;
	s16 =	sadd.s32 $0x81, s16;
	[tilespmem:s5+$0x0 ss:$0x81] =	vst.msk $0xffff, v5;
	v5 =	vld.idx.msk [tilespmem:v0+s11+$0x20 ss:$0x1], $0xffff;
	s5 =	sadd.s32 s25, s10  }
0xeb: {  	s4 =	sadd.s32 $0x80, s4;
	s20 =	sadd.s32 s25, s3;
	[tilespmem:s5+$0x0 ss:$0x81] =	vst.msk $0xffff, v7;
	v7 =	vld.idx.msk [tilespmem:v0+s11+$0x30 ss:$0x1], $0xffff;
	s5 =	sadd.s32 s25, s21  }
0xec: {  	_ =	sdelay $0x3  }
0xed: {  	s2 =	smov.u32 s11;
	v11 =	vmovc v2;
	v10 =	vmovc v3;
	v9 =	vmov v4;
	v8 =	vmov v5;
	v6 =	vmov v7  }
.LBB1_15:
0xee: {  	s3 =	sadd.s32 @p1 $0x81, s15;
	s4 =	smov.u32 s31;
	s15 =	sadd.s32 s25, s16  }
0xef: {  	[tilespmem:s5+$0x0 ss:$0x81] =	vst.msk @p1 $0xffff, v1;
	s5 =	smov.u32 s13;
	s4 =	smov.u32 @p1 s3;
	s3 =	sadd.s32 @p1 $0x81, s12  }
0xf0: {  	s14 =	sadd.s32 $0x1, s14;
	s16 =	sadd.s32 s25, s4;
	s5 =	smov.u32 @p1 s3  }
0xf1: {  	[tilespmem:s20+$0x0 ss:$0x81] =	vst.msk $0xffff, v11;
	s3 =	sadd.s32 @p1 $0x81, s10;
	s4 =	smov.u32 s0;
	s20 =	sadd.s32 s25, s5  }
0xf2: {  	s5 =	sadd.s32 @p1 $0x81, s21;
	s4 =	smov.u32 @p1 s3;
	s3 =	smov.u32 s19  }
0xf3: {  	v0 =	vld.idx.msk [tilespmem:v0+s2+$0x40 ss:$0x1], $0xffff;
	s3 =	smov.u32 @p1 s5;
	p1 =	sne.s32 s14, s8  }
.Ltmp14:
0xf4: {  	[tilespmem:s15+$0x0 ss:$0x81] =	vst.msk $0xffff, v10;
	(pc) =	sbr.rel @p1 .LBB1_9-.Ltmp14, $4  }
.Ltmp15:
0xf5: {  	[tilespmem:s16+$0x0 ss:$0x81] =	vst.msk $0xffff, v9;
	(pc) =	sbr.rel @!p1 .LBB1_16-.Ltmp15, $4  }
0xf6: {  	[tilespmem:s20+$0x0 ss:$0x81] =	vst.msk $0xffff, v8;
	s21 =	sadd.s32 s25, s4  }
0xf7: {  	[tilespmem:s21+$0x0 ss:$0x81] =	vst.msk $0xffff, v6;
	s25 =	sadd.s32 s25, s3  }
0xf8: {  	s24 =	sadd.s32 $0x1, s24;
	[tilespmem:s25+$0x0 ss:$0x81] =	vst.msk $0xffff, v0  }
0xf9: {  	_ = 	snop  }
.LBB1_10:
.Ltmp16:
0xfa: {  	(pc) =	sbr.rel .LBB1_15-.Ltmp16, $3  }
0xfb: {  	_ =	sdelay $0x1  }
0xfc: {  	s16 =	smov.u32 s17;
	s15 =	smov.u32 s31  }
0xfd: {  	s12 =	smov.u32 s13;
	s21 =	smov.u32 s19;
	s10 =	smov.u32 s0  }
.LBB1_12:
.Ltmp17:
0xfe: {  	_ = 	snop;
	(pc) =	sbr.rel .LBB1_15-.Ltmp17, $3  }
0xff: {  	_ =	sdelay $0x1  }
0x100: {  	s2 =	smov.u32 s11;
	s15 =	smov.u32 s31  }
0x101: {  	v11 =	vmovc v2;
	s12 =	smov.u32 s13;
	s21 =	smov.u32 s19;
	s10 =	smov.u32 s0;
	v10 =	vmovc v3;
	v9 =	vmov v4;
	v8 =	vmov v5;
	v6 =	vmov v7  }
.LBB1_21:
0x102: {  	_ =	sfence.sel $0x180000  }
0x103: {  	s0 =	simm.s32 $0x1;
	[bflag:$0x0] =	sbarrier.arrive $0xFFFF  }
0x104: {  	s30 =	simm.s32 $0x2;
	[sflag:s0] =	ssyncpa.u1 $0x1  }
0x105: {  	[sflag:s30] =	ssyncpa.u1 $0x1  }
0x106: {  	_ =	strace $0x90000047  }
0x107: {  	s31 =	stileid.u32;
	[bflag:$0x2] =	sbarrier.arrive $0xFFFF  }
0x108: {  	p0 =	sne.s32 s31, $0x0;
	s0 =	rddreg [dreg:$0x1]  }
0x109: {  	s0 =	sadd.s32 @!p0 $0x100000, s0  }
0x10a: {  	[sflag:s0] =	ssyncadd.tile.s32 @!p0 $0x1;
	_ =	shalt  }
.Lfunc_end1:
_tile_overlayer_lowered:
.L_overlay_start_2:
0x10b: {  	(tag) =	ssettag $0x2  }
0x10c: {  	s0 =	rddreg [dreg:$0x0];
	s2 =	stileid.u32  }
0x10d: {  	s1 =	rddreg [dreg:$0x1];
	p0 =	sne.s32 s2, $0x0  }
0x10e: {  	s3 =	rddreg [dreg:$0x2];
	[bflag:$0x3] =	sbarrier.arrive $0xFFFF;
	s2 =	simm.s32 @!p0 $0x1C01  }
0x10f: {  	[timem:s3], [sflag:s2] =	dma.local @!p0 [hbm:s0], s1  }
0x110: {  	s0 =	simm.s32 @!p0 $0x1  }
0x111: {  	_ =	swait.ge @!p0 [sflag:s0], s1  }
0x112: {  	s1 =	ssub.s32 @!p0 $0x0, s1;
	[sflag:s0] =	ssyncset.done @!p0 $0x0  }
0x113: {  	[sflag:s0] =	ssyncadd.s32 @!p0 s1  }
0x114: {  	[bflag:$0x3] =	sbarrier.arrive $0xFFFF  }
0x115: {  	_ =	shalt  }

</sc_bundles>
